<compile_context>
chip_gen: v7x
topology: tpu7x:2x2x1
jax: 0.10.2.dev20260603
libtpu: 0.0.44.dev20260713+nightly
codegen_flags: <defaults>
</compile_context>

<pallas_src>
import functools

import jax
import jax.numpy as jnp
import numpy as np
from jax import lax
from jax.experimental import pallas as pl
from jax.experimental.pallas import tpu as pltpu
from jax.experimental.pallas import tpu_sc as plsc

_B, _S, _D, _V = 1024, 200, 128, 100000
_N = _B * _S
_NC, _NS = 2, 16
_NW = _NC * _NS
_RPW = _N // _NW
_CHUNKS = _RPW // _S
_LANES = 16
_NBUF = 4
_SPLITS = (0, 56, 104, 152, 200)


def _pos_table():
    i = np.arange(_D)[np.newaxis, :]
    embeds = 1.0 / np.power(10000.0, 2 * (i // 2) / np.float32(_D))
    loc = np.arange(_S)[:, np.newaxis]
    pos = embeds * loc
    pos[:, ::2] = np.sin(pos[:, ::2])
    pos[:, 1::2] = np.cos(pos[:, 1::2])
    return jnp.asarray(pos, dtype=jnp.float32)


@functools.partial(
    pl.kernel,
    out_type=jax.ShapeDtypeStruct((_N, _D), jnp.float32),
    mesh=plsc.VectorSubcoreMesh(core_axis_name="c", subcore_axis_name="s"),
    scratch_types=[
        [pltpu.VMEM((_S,), jnp.int32) for _ in range(_NBUF)],
        [pltpu.VMEM((_S, _D), jnp.float32) for _ in range(_NBUF)],
        pltpu.VMEM((_S, _D), jnp.float32),
        [pltpu.SemaphoreType.DMA for _ in range(_NBUF)],
        [pltpu.SemaphoreType.DMA for _ in range(_NBUF)],
        [pltpu.SemaphoreType.DMA for _ in range(_NBUF)],
    ],
)
def _sc_embed(idx_hbm, table_hbm, pos_hbm, out_hbm, idx_v, rows_v, pos_v,
              gsem, wsem, isem):
    wid = lax.axis_index("s") * _NC + lax.axis_index("c")
    base = wid * _RPW
    pltpu.sync_copy(pos_hbm, pos_v)

    def start_idx(g, b):
        off = base + g * _S
        pltpu.async_copy(idx_hbm.at[pl.ds(off, _S)], idx_v[b], isem[b])

    def wait_idx(g, b):
        off = base + g * _S
        pltpu.make_async_copy(idx_hbm.at[pl.ds(off, _S)], idx_v[b],
                              isem[b]).wait()

    def start_gather(g, b):
        wait_idx(g, b)
        for lo, hi in zip(_SPLITS[:-1], _SPLITS[1:]):
            pltpu.async_copy(table_hbm.at[idx_v[b].at[pl.ds(lo, hi - lo)]],
                             rows_v[b].at[pl.ds(lo, hi - lo), :], gsem[b])

    def wait_gather(b):
        for lo, hi in zip(_SPLITS[:-1], _SPLITS[1:]):
            pltpu.make_async_copy(table_hbm.at[idx_v[b].at[pl.ds(lo, hi - lo)]],
                                  rows_v[b].at[pl.ds(lo, hi - lo), :],
                                  gsem[b]).wait()

    def start_write(g, b):
        off = base + g * _S
        pltpu.async_copy(rows_v[b], out_hbm.at[pl.ds(off, _S)], wsem[b])

    def wait_write(g, b):
        off = base + g * _S
        pltpu.make_async_copy(rows_v[b], out_hbm.at[pl.ds(off, _S)],
                              wsem[b]).wait()

    for g in range(3):
        start_idx(g, g)
    for g in range(2):
        start_gather(g, g)

    def group_body(g4, carry):
        for b in range(_NBUF):
            g = g4 * _NBUF + b
            b2 = (b + 2) % _NBUF
            b3 = (b + 3) % _NBUF

            @pl.when(g + 3 < _CHUNKS)
            def _prefetch():
                start_idx(g + 3, b3)

            @pl.when(g >= 2)
            def _retire():
                wait_write(g - 2, b2)

            @pl.when(g + 2 < _CHUNKS)
            def _launch():
                start_gather(g + 2, b2)

            wait_gather(b)

            start_write(g, b)
        return carry

    lax.fori_loop(0, _CHUNKS // _NBUF, group_body, 0)

    for g in (_CHUNKS - 2, _CHUNKS - 1):
        wait_write(g, g % _NBUF)


def kernel(data, table):
    pos = _pos_table()
    out = _sc_embed(data.reshape(_N), table, pos)
    return out.reshape(_B, _S, _D)

# --- scband reference (transcript-rebuilt; emitter-appended) ---
"""Pipeline reference for scband-positional-embed-91233695301910 (READ-ONLY COPY).

The authoritative reference and input builder live on the scoring server;
editing this copy changes nothing except your own understanding.
"""

import jax, jax.numpy as jnp
import numpy as np

B, S, D, V = 1024, 200, 128, 100000


def _pos_encoding():
    i = np.arange(D)[np.newaxis, :]
    embeds = 1.0 / np.power(10000.0, 2 * (i // 2) / np.float32(D))
    loc = np.arange(S)[:, np.newaxis]
    pos = embeds * loc
    pos[:, ::2] = np.sin(pos[:, ::2])
    pos[:, 1::2] = np.cos(pos[:, 1::2])
    return jnp.asarray(pos, dtype=jnp.float32)


def setup_inputs(seed: int = 0) -> dict:
    key = jax.random.key(seed)
    k1, k2 = jax.random.split(key)
    data = jax.random.randint(k1, (B, S), 0, V, dtype=jnp.int32)
    # Embedding table (keras Embedding default: uniform init)
    table = jax.random.uniform(k2, (V, D), dtype=jnp.float32, minval=-0.05, maxval=0.05)
    return {"data": data, "table": table}


def reference(data, table):
    pos = _pos_encoding()  # [S, D] sinusoidal positional encoding
    embed = jnp.take(table, data, axis=0)  # [B, S, D] gather
    return embed + pos[jnp.newaxis, :, :]

if __name__ == "__main__":
    import jax
    _d = setup_inputs()
    print(jax.jit(kernel)(*tuple(_d.values())))

</pallas_src>

<mosaic_0001>
#map = affine_map<(d0, d1) -> (0)>
#map1 = affine_map<(d0, d1) -> (0, 0)>
module attributes {stable_mosaic.version = 14 : i64} {
  func.func @_sc_embed(%arg0: i32, %arg1: i32, %arg2: memref<204800xi32, #tpu.memory_space<hbm>>, %arg3: memref<100000x128xf32, #tpu.memory_space<hbm>>, %arg4: memref<200x128xf32, #tpu.memory_space<hbm>>, %arg5: memref<204800x128xf32, #tpu.memory_space<hbm>>, %arg6: memref<200xi32, #tpu.memory_space<vmem>>, %arg7: memref<200xi32, #tpu.memory_space<vmem>>, %arg8: memref<200xi32, #tpu.memory_space<vmem>>, %arg9: memref<200xi32, #tpu.memory_space<vmem>>, %arg10: memref<200x128xf32, #tpu.memory_space<vmem>>, %arg11: memref<200x128xf32, #tpu.memory_space<vmem>>, %arg12: memref<200x128xf32, #tpu.memory_space<vmem>>, %arg13: memref<200x128xf32, #tpu.memory_space<vmem>>, %arg14: memref<200x128xf32, #tpu.memory_space<vmem>>, %arg15: memref<!tpu.dma_semaphore, #tpu.memory_space<semaphore_mem>>, %arg16: memref<!tpu.dma_semaphore, #tpu.memory_space<semaphore_mem>>, %arg17: memref<!tpu.dma_semaphore, #tpu.memory_space<semaphore_mem>>, %arg18: memref<!tpu.dma_semaphore, #tpu.memory_space<semaphore_mem>>, %arg19: memref<!tpu.dma_semaphore, #tpu.memory_space<semaphore_mem>>, %arg20: memref<!tpu.dma_semaphore, #tpu.memory_space<semaphore_mem>>, %arg21: memref<!tpu.dma_semaphore, #tpu.memory_space<semaphore_mem>>, %arg22: memref<!tpu.dma_semaphore, #tpu.memory_space<semaphore_mem>>, %arg23: memref<!tpu.dma_semaphore, #tpu.memory_space<semaphore_mem>>, %arg24: memref<!tpu.dma_semaphore, #tpu.memory_space<semaphore_mem>>, %arg25: memref<!tpu.dma_semaphore, #tpu.memory_space<semaphore_mem>>, %arg26: memref<!tpu.dma_semaphore, #tpu.memory_space<semaphore_mem>>) attributes {dimension_semantics = [#tpu.dimension_semantics<core_parallel>, #tpu.dimension_semantics<subcore_parallel>], iteration_bounds = array<i64: 2, 16>, scalar_prefetch = 0 : i64, scratch_operands = 21 : i64, tpu.core_type = #tpu.core_type<sc_vector_subcore>, window_params = [{transform_indices = #map}, {transform_indices = #map1}, {transform_indices = #map1}, {transform_indices = #map1}]} {
    %mul3A = arith.constant 2 : i32
    %mul3A_0 = arith.muli %arg1, %mul3A : i32
    %add3A = arith.addi %mul3A_0, %arg0 : i32
    %mul3A_1 = arith.constant 6400 : i32
    %mul3A_2 = arith.muli %add3A, %mul3A_1 : i32
    "tpu.region"() ({
      %run_scoped3A = tpu.sem_alloc : memref<!tpu.dma_semaphore, #tpu.memory_space<semaphore_mem>>
      tpu.enqueue_dma source(%arg4 : memref<200x128xf32, #tpu.memory_space<hbm>>) target(%arg14 : memref<200x128xf32, #tpu.memory_space<vmem>>) target_semaphore(%run_scoped3A : memref<!tpu.dma_semaphore, #tpu.memory_space<semaphore_mem>>)
      tpu.wait_dma2 semaphore(%run_scoped3A : memref<!tpu.dma_semaphore, #tpu.memory_space<semaphore_mem>>) src(%arg4 : memref<200x128xf32, #tpu.memory_space<hbm>>) dst(%arg14 : memref<200x128xf32, #tpu.memory_space<vmem>>)
      tpu.yield
    }) : () -> ()
    %add3A_3 = arith.constant 0 : i32
    %add3A_4 = arith.addi %mul3A_2, %add3A_3 : i32
    %dma_start3A = tpu.memref_slice %arg2[%add3A_4] : memref<204800xi32, #tpu.memory_space<hbm>> -> memref<200xi32, #tpu.memory_space<hbm>>
    %dma_start3A_5 = tpu.memref_slice %arg2[%add3A_4] : memref<204800xi32, #tpu.memory_space<hbm>> -> memref<200xi32, #tpu.memory_space<hbm>>
    tpu.enqueue_dma source(%dma_start3A_5 : memref<200xi32, #tpu.memory_space<hbm>>) target(%arg6 : memref<200xi32, #tpu.memory_space<vmem>>) target_semaphore(%arg23 : memref<!tpu.dma_semaphore, #tpu.memory_space<semaphore_mem>>)
    %add3A_6 = arith.constant 200 : i32
    %add3A_7 = arith.addi %mul3A_2, %add3A_6 : i32
    %dma_start3A_8 = tpu.memref_slice %arg2[%add3A_7] : memref<204800xi32, #tpu.memory_space<hbm>> -> memref<200xi32, #tpu.memory_space<hbm>>
    %dma_start3A_9 = tpu.memref_slice %arg2[%add3A_7] : memref<204800xi32, #tpu.memory_space<hbm>> -> memref<200xi32, #tpu.memory_space<hbm>>
    tpu.enqueue_dma source(%dma_start3A_9 : memref<200xi32, #tpu.memory_space<hbm>>) target(%arg7 : memref<200xi32, #tpu.memory_space<vmem>>) target_semaphore(%arg24 : memref<!tpu.dma_semaphore, #tpu.memory_space<semaphore_mem>>)
    %add3A_10 = arith.constant 400 : i32
    %add3A_11 = arith.addi %mul3A_2, %add3A_10 : i32
    %dma_start3A_12 = tpu.memref_slice %arg2[%add3A_11] : memref<204800xi32, #tpu.memory_space<hbm>> -> memref<200xi32, #tpu.memory_space<hbm>>
    %dma_start3A_13 = tpu.memref_slice %arg2[%add3A_11] : memref<204800xi32, #tpu.memory_space<hbm>> -> memref<200xi32, #tpu.memory_space<hbm>>
    tpu.enqueue_dma source(%dma_start3A_13 : memref<200xi32, #tpu.memory_space<hbm>>) target(%arg8 : memref<200xi32, #tpu.memory_space<vmem>>) target_semaphore(%arg25 : memref<!tpu.dma_semaphore, #tpu.memory_space<semaphore_mem>>)
    %add3A_14 = arith.constant 0 : i32
    %add3A_15 = arith.addi %mul3A_2, %add3A_14 : i32
    %dma_wait3A = tpu.memref_slice %arg2[%add3A_15] : memref<204800xi32, #tpu.memory_space<hbm>> -> memref<200xi32, #tpu.memory_space<hbm>>
    %dma_wait3A_16 = tpu.memref_slice %arg2[%add3A_15] : memref<204800xi32, #tpu.memory_space<hbm>> -> memref<200xi32, #tpu.memory_space<hbm>>
    tpu.wait_dma2 semaphore(%arg23 : memref<!tpu.dma_semaphore, #tpu.memory_space<semaphore_mem>>) src(%dma_wait3A_16 : memref<200xi32, #tpu.memory_space<hbm>>) dst(%arg6 : memref<200xi32, #tpu.memory_space<vmem>>)
    %dma_start3A_17 = arith.constant 0 : i32
    %dma_start3A_18 = arith.constant 0 : i32
    %dma_start3A_19 = tpu.memref_slice %arg10[%dma_start3A_17, %dma_start3A_18] : memref<200x128xf32, #tpu.memory_space<vmem>> -> memref<56x128xf32, #tpu.memory_space<vmem>>
    %dma_start3A_20 = arith.constant 0 : i32
    %dma_start3A_21 = tpu.memref_slice %arg6[%dma_start3A_20] : memref<200xi32, #tpu.memory_space<vmem>> -> memref<56xi32, #tpu.memory_space<vmem>>
    %dma_start3A_22 = arith.constant 0 : i32
    %dma_start3A_23 = arith.constant 0 : i32
    %dma_start3A_24 = tpu.memref_slice %arg3[%dma_start3A_22, %dma_start3A_23] : memref<100000x128xf32, #tpu.memory_space<hbm>> -> memref<100000x128xf32, #tpu.memory_space<hbm>>
    tpu.enqueue_indirect_dma source(%dma_start3A_24 : memref<100000x128xf32, #tpu.memory_space<hbm>>) target(%dma_start3A_19 : memref<56x128xf32, #tpu.memory_space<vmem>>) offsets(%dma_start3A_21 : memref<56xi32, #tpu.memory_space<vmem>>) semaphore(%arg15 : memref<!tpu.dma_semaphore, #tpu.memory_space<semaphore_mem>>)
    %dma_start3A_25 = arith.constant 56 : i32
    %dma_start3A_26 = arith.constant 0 : i32
    %dma_start3A_27 = tpu.memref_slice %arg10[%dma_start3A_25, %dma_start3A_26] : memref<200x128xf32, #tpu.memory_space<vmem>> -> memref<48x128xf32, #tpu.memory_space<vmem>>
    %dma_start3A_28 = arith.constant 56 : i32
    %dma_start3A_29 = tpu.memref_slice %arg6[%dma_start3A_28] : memref<200xi32, #tpu.memory_space<vmem>> -> memref<48xi32, #tpu.memory_space<vmem>>
    %dma_start3A_30 = arith.constant 0 : i32
    %dma_start3A_31 = arith.constant 0 : i32
    %dma_start3A_32 = tpu.memref_slice %arg3[%dma_start3A_30, %dma_start3A_31] : memref<100000x128xf32, #tpu.memory_space<hbm>> -> memref<100000x128xf32, #tpu.memory_space<hbm>>
    tpu.enqueue_indirect_dma source(%dma_start3A_32 : memref<100000x128xf32, #tpu.memory_space<hbm>>) target(%dma_start3A_27 : memref<48x128xf32, #tpu.memory_space<vmem>>) offsets(%dma_start3A_29 : memref<48xi32, #tpu.memory_space<vmem>>) semaphore(%arg15 : memref<!tpu.dma_semaphore, #tpu.memory_space<semaphore_mem>>)
    %dma_start3A_33 = arith.constant 104 : i32
    %dma_start3A_34 = arith.constant 0 : i32
    %dma_start3A_35 = tpu.memref_slice %arg10[%dma_start3A_33, %dma_start3A_34] : memref<200x128xf32, #tpu.memory_space<vmem>> -> memref<48x128xf32, #tpu.memory_space<vmem>>
    %dma_start3A_36 = arith.constant 104 : i32
    %dma_start3A_37 = tpu.memref_slice %arg6[%dma_start3A_36] : memref<200xi32, #tpu.memory_space<vmem>> -> memref<48xi32, #tpu.memory_space<vmem>>
    %dma_start3A_38 = arith.constant 0 : i32
    %dma_start3A_39 = arith.constant 0 : i32
    %dma_start3A_40 = tpu.memref_slice %arg3[%dma_start3A_38, %dma_start3A_39] : memref<100000x128xf32, #tpu.memory_space<hbm>> -> memref<100000x128xf32, #tpu.memory_space<hbm>>
    tpu.enqueue_indirect_dma source(%dma_start3A_40 : memref<100000x128xf32, #tpu.memory_space<hbm>>) target(%dma_start3A_35 : memref<48x128xf32, #tpu.memory_space<vmem>>) offsets(%dma_start3A_37 : memref<48xi32, #tpu.memory_space<vmem>>) semaphore(%arg15 : memref<!tpu.dma_semaphore, #tpu.memory_space<semaphore_mem>>)
    %dma_start3A_41 = arith.constant 152 : i32
    %dma_start3A_42 = arith.constant 0 : i32
    %dma_start3A_43 = tpu.memref_slice %arg10[%dma_start3A_41, %dma_start3A_42] : memref<200x128xf32, #tpu.memory_space<vmem>> -> memref<48x128xf32, #tpu.memory_space<vmem>>
    %dma_start3A_44 = arith.constant 152 : i32
    %dma_start3A_45 = tpu.memref_slice %arg6[%dma_start3A_44] : memref<200xi32, #tpu.memory_space<vmem>> -> memref<48xi32, #tpu.memory_space<vmem>>
    %dma_start3A_46 = arith.constant 0 : i32
    %dma_start3A_47 = arith.constant 0 : i32
    %dma_start3A_48 = tpu.memref_slice %arg3[%dma_start3A_46, %dma_start3A_47] : memref<100000x128xf32, #tpu.memory_space<hbm>> -> memref<100000x128xf32, #tpu.memory_space<hbm>>
    tpu.enqueue_indirect_dma source(%dma_start3A_48 : memref<100000x128xf32, #tpu.memory_space<hbm>>) target(%dma_start3A_43 : memref<48x128xf32, #tpu.memory_space<vmem>>) offsets(%dma_start3A_45 : memref<48xi32, #tpu.memory_space<vmem>>) semaphore(%arg15 : memref<!tpu.dma_semaphore, #tpu.memory_space<semaphore_mem>>)
    %add3A_49 = arith.constant 200 : i32
    %add3A_50 = arith.addi %mul3A_2, %add3A_49 : i32
    %dma_wait3A_51 = tpu.memref_slice %arg2[%add3A_50] : memref<204800xi32, #tpu.memory_space<hbm>> -> memref<200xi32, #tpu.memory_space<hbm>>
    %dma_wait3A_52 = tpu.memref_slice %arg2[%add3A_50] : memref<204800xi32, #tpu.memory_space<hbm>> -> memref<200xi32, #tpu.memory_space<hbm>>
    tpu.wait_dma2 semaphore(%arg24 : memref<!tpu.dma_semaphore, #tpu.memory_space<semaphore_mem>>) src(%dma_wait3A_52 : memref<200xi32, #tpu.memory_space<hbm>>) dst(%arg7 : memref<200xi32, #tpu.memory_space<vmem>>)
    %dma_start3A_53 = arith.constant 0 : i32
    %dma_start3A_54 = arith.constant 0 : i32
    %dma_start3A_55 = tpu.memref_slice %arg11[%dma_start3A_53, %dma_start3A_54] : memref<200x128xf32, #tpu.memory_space<vmem>> -> memref<56x128xf32, #tpu.memory_space<vmem>>
    %dma_start3A_56 = arith.constant 0 : i32
    %dma_start3A_57 = tpu.memref_slice %arg7[%dma_start3A_56] : memref<200xi32, #tpu.memory_space<vmem>> -> memref<56xi32, #tpu.memory_space<vmem>>
    %dma_start3A_58 = arith.constant 0 : i32
    %dma_start3A_59 = arith.constant 0 : i32
    %dma_start3A_60 = tpu.memref_slice %arg3[%dma_start3A_58, %dma_start3A_59] : memref<100000x128xf32, #tpu.memory_space<hbm>> -> memref<100000x128xf32, #tpu.memory_space<hbm>>
    tpu.enqueue_indirect_dma source(%dma_start3A_60 : memref<100000x128xf32, #tpu.memory_space<hbm>>) target(%dma_start3A_55 : memref<56x128xf32, #tpu.memory_space<vmem>>) offsets(%dma_start3A_57 : memref<56xi32, #tpu.memory_space<vmem>>) semaphore(%arg16 : memref<!tpu.dma_semaphore, #tpu.memory_space<semaphore_mem>>)
    %dma_start3A_61 = arith.constant 56 : i32
    %dma_start3A_62 = arith.constant 0 : i32
    %dma_start3A_63 = tpu.memref_slice %arg11[%dma_start3A_61, %dma_start3A_62] : memref<200x128xf32, #tpu.memory_space<vmem>> -> memref<48x128xf32, #tpu.memory_space<vmem>>
    %dma_start3A_64 = arith.constant 56 : i32
    %dma_start3A_65 = tpu.memref_slice %arg7[%dma_start3A_64] : memref<200xi32, #tpu.memory_space<vmem>> -> memref<48xi32, #tpu.memory_space<vmem>>
    %dma_start3A_66 = arith.constant 0 : i32
    %dma_start3A_67 = arith.constant 0 : i32
    %dma_start3A_68 = tpu.memref_slice %arg3[%dma_start3A_66, %dma_start3A_67] : memref<100000x128xf32, #tpu.memory_space<hbm>> -> memref<100000x128xf32, #tpu.memory_space<hbm>>
    tpu.enqueue_indirect_dma source(%dma_start3A_68 : memref<100000x128xf32, #tpu.memory_space<hbm>>) target(%dma_start3A_63 : memref<48x128xf32, #tpu.memory_space<vmem>>) offsets(%dma_start3A_65 : memref<48xi32, #tpu.memory_space<vmem>>) semaphore(%arg16 : memref<!tpu.dma_semaphore, #tpu.memory_space<semaphore_mem>>)
    %dma_start3A_69 = arith.constant 104 : i32
    %dma_start3A_70 = arith.constant 0 : i32
    %dma_start3A_71 = tpu.memref_slice %arg11[%dma_start3A_69, %dma_start3A_70] : memref<200x128xf32, #tpu.memory_space<vmem>> -> memref<48x128xf32, #tpu.memory_space<vmem>>
    %dma_start3A_72 = arith.constant 104 : i32
    %dma_start3A_73 = tpu.memref_slice %arg7[%dma_start3A_72] : memref<200xi32, #tpu.memory_space<vmem>> -> memref<48xi32, #tpu.memory_space<vmem>>
    %dma_start3A_74 = arith.constant 0 : i32
    %dma_start3A_75 = arith.constant 0 : i32
    %dma_start3A_76 = tpu.memref_slice %arg3[%dma_start3A_74, %dma_start3A_75] : memref<100000x128xf32, #tpu.memory_space<hbm>> -> memref<100000x128xf32, #tpu.memory_space<hbm>>
    tpu.enqueue_indirect_dma source(%dma_start3A_76 : memref<100000x128xf32, #tpu.memory_space<hbm>>) target(%dma_start3A_71 : memref<48x128xf32, #tpu.memory_space<vmem>>) offsets(%dma_start3A_73 : memref<48xi32, #tpu.memory_space<vmem>>) semaphore(%arg16 : memref<!tpu.dma_semaphore, #tpu.memory_space<semaphore_mem>>)
    %dma_start3A_77 = arith.constant 152 : i32
    %dma_start3A_78 = arith.constant 0 : i32
    %dma_start3A_79 = tpu.memref_slice %arg11[%dma_start3A_77, %dma_start3A_78] : memref<200x128xf32, #tpu.memory_space<vmem>> -> memref<48x128xf32, #tpu.memory_space<vmem>>
    %dma_start3A_80 = arith.constant 152 : i32
    %dma_start3A_81 = tpu.memref_slice %arg7[%dma_start3A_80] : memref<200xi32, #tpu.memory_space<vmem>> -> memref<48xi32, #tpu.memory_space<vmem>>
    %dma_start3A_82 = arith.constant 0 : i32
    %dma_start3A_83 = arith.constant 0 : i32
    %dma_start3A_84 = tpu.memref_slice %arg3[%dma_start3A_82, %dma_start3A_83] : memref<100000x128xf32, #tpu.memory_space<hbm>> -> memref<100000x128xf32, #tpu.memory_space<hbm>>
    tpu.enqueue_indirect_dma source(%dma_start3A_84 : memref<100000x128xf32, #tpu.memory_space<hbm>>) target(%dma_start3A_79 : memref<48x128xf32, #tpu.memory_space<vmem>>) offsets(%dma_start3A_81 : memref<48xi32, #tpu.memory_space<vmem>>) semaphore(%arg16 : memref<!tpu.dma_semaphore, #tpu.memory_space<semaphore_mem>>)
    %scan3A = arith.constant 0 : i32
    %scan3A_85 = arith.constant 0 : i32
    %scan3A_86 = arith.constant 8 : i32
    %scan3A_87 = arith.addi %scan3A_85, %scan3A_86 : i32
    %scan3A_88 = arith.constant 1 : i32
    scf.for %scan3A_102 = %scan3A_85 to %scan3A_87 step %scan3A_88  : i32 {
      %mul3A_103 = arith.constant 4 : i32
      %mul3A_104 = arith.muli %scan3A_102, %mul3A_103 : i32
      %add3A_105 = arith.constant 0 : i32
      %add3A_106 = arith.addi %mul3A_104, %add3A_105 : i32
      %add3A_107 = arith.constant 3 : i32
      %add3A_108 = arith.addi %add3A_106, %add3A_107 : i32
      %lt3A = arith.constant 32 : i32
      %lt3A_109 = arith.cmpi slt, %add3A_108, %lt3A : i32
      %convert_element_type3A = arith.extui %lt3A_109 : i1 to i32
      %cond3A = arith.constant 0 : i32
      %cond3A_110 = arith.cmpi ne, %convert_element_type3A, %cond3A : i32
      scf.if %cond3A_110 {
        %add3A_347 = arith.constant 3 : i32
        %add3A_348 = arith.addi %add3A_106, %add3A_347 : i32
        %mul3A_349 = arith.constant 200 : i32
        %mul3A_350 = arith.muli %add3A_348, %mul3A_349 : i32
        %add3A_351 = arith.addi %mul3A_2, %mul3A_350 : i32
        %dma_start3A_352 = tpu.memref_slice %arg2[%add3A_351] : memref<204800xi32, #tpu.memory_space<hbm>> -> memref<200xi32, #tpu.memory_space<hbm>>
        %dma_start3A_353 = tpu.memref_slice %arg2[%add3A_351] : memref<204800xi32, #tpu.memory_space<hbm>> -> memref<200xi32, #tpu.memory_space<hbm>>
        tpu.enqueue_dma source(%dma_start3A_353 : memref<200xi32, #tpu.memory_space<hbm>>) target(%arg9 : memref<200xi32, #tpu.memory_space<vmem>>) target_semaphore(%arg26 : memref<!tpu.dma_semaphore, #tpu.memory_space<semaphore_mem>>)
      } else {
      }
      %ge3A = arith.constant 2 : i32
      %ge3A_111 = arith.cmpi sge, %add3A_106, %ge3A : i32
      %convert_element_type3A_112 = arith.extui %ge3A_111 : i1 to i32
      %cond3A_113 = arith.constant 0 : i32
      %cond3A_114 = arith.cmpi ne, %convert_element_type3A_112, %cond3A_113 : i32
      scf.if %cond3A_114 {
        %sub3A = arith.constant 2 : i32
        %sub3A_347 = arith.subi %add3A_106, %sub3A : i32
        %mul3A_348 = arith.constant 200 : i32
        %mul3A_349 = arith.muli %sub3A_347, %mul3A_348 : i32
        %add3A_350 = arith.addi %mul3A_2, %mul3A_349 : i32
        %dma_wait3A_351 = arith.constant 0 : i32
        %dma_wait3A_352 = tpu.memref_slice %arg5[%add3A_350, %dma_wait3A_351] : memref<204800x128xf32, #tpu.memory_space<hbm>> -> memref<200x128xf32, #tpu.memory_space<hbm>>
        %dma_wait3A_353 = arith.constant 0 : i32
        %dma_wait3A_354 = tpu.memref_slice %arg5[%add3A_350, %dma_wait3A_353] : memref<204800x128xf32, #tpu.memory_space<hbm>> -> memref<200x128xf32, #tpu.memory_space<hbm>>
        tpu.wait_dma2 semaphore(%arg21 : memref<!tpu.dma_semaphore, #tpu.memory_space<semaphore_mem>>) src(%arg12 : memref<200x128xf32, #tpu.memory_space<vmem>>) dst(%dma_wait3A_354 : memref<200x128xf32, #tpu.memory_space<hbm>>)
      } else {
      }
      %add3A_115 = arith.constant 2 : i32
      %add3A_116 = arith.addi %add3A_106, %add3A_115 : i32
      %lt3A_117 = arith.constant 32 : i32
      %lt3A_118 = arith.cmpi slt, %add3A_116, %lt3A_117 : i32
      %convert_element_type3A_119 = arith.extui %lt3A_118 : i1 to i32
      %cond3A_120 = arith.constant 0 : i32
      %cond3A_121 = arith.cmpi ne, %convert_element_type3A_119, %cond3A_120 : i32
      scf.if %cond3A_121 {
        %add3A_347 = arith.constant 2 : i32
        %add3A_348 = arith.addi %add3A_106, %add3A_347 : i32
        %mul3A_349 = arith.constant 200 : i32
        %mul3A_350 = arith.muli %add3A_348, %mul3A_349 : i32
        %add3A_351 = arith.addi %mul3A_2, %mul3A_350 : i32
        %dma_wait3A_352 = tpu.memref_slice %arg2[%add3A_351] : memref<204800xi32, #tpu.memory_space<hbm>> -> memref<200xi32, #tpu.memory_space<hbm>>
        %dma_wait3A_353 = tpu.memref_slice %arg2[%add3A_351] : memref<204800xi32, #tpu.memory_space<hbm>> -> memref<200xi32, #tpu.memory_space<hbm>>
        tpu.wait_dma2 semaphore(%arg25 : memref<!tpu.dma_semaphore, #tpu.memory_space<semaphore_mem>>) src(%dma_wait3A_353 : memref<200xi32, #tpu.memory_space<hbm>>) dst(%arg8 : memref<200xi32, #tpu.memory_space<vmem>>)
        %dma_start3A_354 = arith.constant 0 : i32
        %dma_start3A_355 = arith.constant 0 : i32
        %dma_start3A_356 = tpu.memref_slice %arg12[%dma_start3A_354, %dma_start3A_355] : memref<200x128xf32, #tpu.memory_space<vmem>> -> memref<56x128xf32, #tpu.memory_space<vmem>>
        %dma_start3A_357 = arith.constant 0 : i32
        %dma_start3A_358 = tpu.memref_slice %arg8[%dma_start3A_357] : memref<200xi32, #tpu.memory_space<vmem>> -> memref<56xi32, #tpu.memory_space<vmem>>
        %dma_start3A_359 = arith.constant 0 : i32
        %dma_start3A_360 = arith.constant 0 : i32
        %dma_start3A_361 = tpu.memref_slice %arg3[%dma_start3A_359, %dma_start3A_360] : memref<100000x128xf32, #tpu.memory_space<hbm>> -> memref<100000x128xf32, #tpu.memory_space<hbm>>
        tpu.enqueue_indirect_dma source(%dma_start3A_361 : memref<100000x128xf32, #tpu.memory_space<hbm>>) target(%dma_start3A_356 : memref<56x128xf32, #tpu.memory_space<vmem>>) offsets(%dma_start3A_358 : memref<56xi32, #tpu.memory_space<vmem>>) semaphore(%arg17 : memref<!tpu.dma_semaphore, #tpu.memory_space<semaphore_mem>>)
        %dma_start3A_362 = arith.constant 56 : i32
        %dma_start3A_363 = arith.constant 0 : i32
        %dma_start3A_364 = tpu.memref_slice %arg12[%dma_start3A_362, %dma_start3A_363] : memref<200x128xf32, #tpu.memory_space<vmem>> -> memref<48x128xf32, #tpu.memory_space<vmem>>
        %dma_start3A_365 = arith.constant 56 : i32
        %dma_start3A_366 = tpu.memref_slice %arg8[%dma_start3A_365] : memref<200xi32, #tpu.memory_space<vmem>> -> memref<48xi32, #tpu.memory_space<vmem>>
        %dma_start3A_367 = arith.constant 0 : i32
        %dma_start3A_368 = arith.constant 0 : i32
        %dma_start3A_369 = tpu.memref_slice %arg3[%dma_start3A_367, %dma_start3A_368] : memref<100000x128xf32, #tpu.memory_space<hbm>> -> memref<100000x128xf32, #tpu.memory_space<hbm>>
        tpu.enqueue_indirect_dma source(%dma_start3A_369 : memref<100000x128xf32, #tpu.memory_space<hbm>>) target(%dma_start3A_364 : memref<48x128xf32, #tpu.memory_space<vmem>>) offsets(%dma_start3A_366 : memref<48xi32, #tpu.memory_space<vmem>>) semaphore(%arg17 : memref<!tpu.dma_semaphore, #tpu.memory_space<semaphore_mem>>)
        %dma_start3A_370 = arith.constant 104 : i32
        %dma_start3A_371 = arith.constant 0 : i32
        %dma_start3A_372 = tpu.memref_slice %arg12[%dma_start3A_370, %dma_start3A_371] : memref<200x128xf32, #tpu.memory_space<vmem>> -> memref<48x128xf32, #tpu.memory_space<vmem>>
        %dma_start3A_373 = arith.constant 104 : i32
        %dma_start3A_374 = tpu.memref_slice %arg8[%dma_start3A_373] : memref<200xi32, #tpu.memory_space<vmem>> -> memref<48xi32, #tpu.memory_space<vmem>>
        %dma_start3A_375 = arith.constant 0 : i32
        %dma_start3A_376 = arith.constant 0 : i32
        %dma_start3A_377 = tpu.memref_slice %arg3[%dma_start3A_375, %dma_start3A_376] : memref<100000x128xf32, #tpu.memory_space<hbm>> -> memref<100000x128xf32, #tpu.memory_space<hbm>>
        tpu.enqueue_indirect_dma source(%dma_start3A_377 : memref<100000x128xf32, #tpu.memory_space<hbm>>) target(%dma_start3A_372 : memref<48x128xf32, #tpu.memory_space<vmem>>) offsets(%dma_start3A_374 : memref<48xi32, #tpu.memory_space<vmem>>) semaphore(%arg17 : memref<!tpu.dma_semaphore, #tpu.memory_space<semaphore_mem>>)
        %dma_start3A_378 = arith.constant 152 : i32
        %dma_start3A_379 = arith.constant 0 : i32
        %dma_start3A_380 = tpu.memref_slice %arg12[%dma_start3A_378, %dma_start3A_379] : memref<200x128xf32, #tpu.memory_space<vmem>> -> memref<48x128xf32, #tpu.memory_space<vmem>>
        %dma_start3A_381 = arith.constant 152 : i32
        %dma_start3A_382 = tpu.memref_slice %arg8[%dma_start3A_381] : memref<200xi32, #tpu.memory_space<vmem>> -> memref<48xi32, #tpu.memory_space<vmem>>
        %dma_start3A_383 = arith.constant 0 : i32
        %dma_start3A_384 = arith.constant 0 : i32
        %dma_start3A_385 = tpu.memref_slice %arg3[%dma_start3A_383, %dma_start3A_384] : memref<100000x128xf32, #tpu.memory_space<hbm>> -> memref<100000x128xf32, #tpu.memory_space<hbm>>
        tpu.enqueue_indirect_dma source(%dma_start3A_385 : memref<100000x128xf32, #tpu.memory_space<hbm>>) target(%dma_start3A_380 : memref<48x128xf32, #tpu.memory_space<vmem>>) offsets(%dma_start3A_382 : memref<48xi32, #tpu.memory_space<vmem>>) semaphore(%arg17 : memref<!tpu.dma_semaphore, #tpu.memory_space<semaphore_mem>>)
      } else {
      }
      %dma_wait3A_122 = arith.constant 0 : i32
      %dma_wait3A_123 = arith.constant 0 : i32
      %dma_wait3A_124 = tpu.memref_slice %arg10[%dma_wait3A_122, %dma_wait3A_123] : memref<200x128xf32, #tpu.memory_space<vmem>> -> memref<56x128xf32, #tpu.memory_space<vmem>>
      %dma_wait3A_125 = arith.constant 0 : i32
      %dma_wait3A_126 = tpu.memref_slice %arg6[%dma_wait3A_125] : memref<200xi32, #tpu.memory_space<vmem>> -> memref<56xi32, #tpu.memory_space<vmem>>
      %dma_wait3A_127 = arith.constant 0 : i32
      %dma_wait3A_128 = arith.constant 0 : i32
      %dma_wait3A_129 = tpu.memref_slice %arg3[%dma_wait3A_127, %dma_wait3A_128] : memref<100000x128xf32, #tpu.memory_space<hbm>> -> memref<100000x128xf32, #tpu.memory_space<hbm>>
      tpu.wait_indirect_dma semaphore(%arg15 : memref<!tpu.dma_semaphore, #tpu.memory_space<semaphore_mem>>) src(%dma_wait3A_129 : memref<100000x128xf32, #tpu.memory_space<hbm>>) dst(%dma_wait3A_124 : memref<56x128xf32, #tpu.memory_space<vmem>>)
      %dma_wait3A_130 = arith.constant 56 : i32
      %dma_wait3A_131 = arith.constant 0 : i32
      %dma_wait3A_132 = tpu.memref_slice %arg10[%dma_wait3A_130, %dma_wait3A_131] : memref<200x128xf32, #tpu.memory_space<vmem>> -> memref<48x128xf32, #tpu.memory_space<vmem>>
      %dma_wait3A_133 = arith.constant 56 : i32
      %dma_wait3A_134 = tpu.memref_slice %arg6[%dma_wait3A_133] : memref<200xi32, #tpu.memory_space<vmem>> -> memref<48xi32, #tpu.memory_space<vmem>>
      %dma_wait3A_135 = arith.constant 0 : i32
      %dma_wait3A_136 = arith.constant 0 : i32
      %dma_wait3A_137 = tpu.memref_slice %arg3[%dma_wait3A_135, %dma_wait3A_136] : memref<100000x128xf32, #tpu.memory_space<hbm>> -> memref<100000x128xf32, #tpu.memory_space<hbm>>
      tpu.wait_indirect_dma semaphore(%arg15 : memref<!tpu.dma_semaphore, #tpu.memory_space<semaphore_mem>>) src(%dma_wait3A_137 : memref<100000x128xf32, #tpu.memory_space<hbm>>) dst(%dma_wait3A_132 : memref<48x128xf32, #tpu.memory_space<vmem>>)
      %dma_wait3A_138 = arith.constant 104 : i32
      %dma_wait3A_139 = arith.constant 0 : i32
      %dma_wait3A_140 = tpu.memref_slice %arg10[%dma_wait3A_138, %dma_wait3A_139] : memref<200x128xf32, #tpu.memory_space<vmem>> -> memref<48x128xf32, #tpu.memory_space<vmem>>
      %dma_wait3A_141 = arith.constant 104 : i32
      %dma_wait3A_142 = tpu.memref_slice %arg6[%dma_wait3A_141] : memref<200xi32, #tpu.memory_space<vmem>> -> memref<48xi32, #tpu.memory_space<vmem>>
      %dma_wait3A_143 = arith.constant 0 : i32
      %dma_wait3A_144 = arith.constant 0 : i32
      %dma_wait3A_145 = tpu.memref_slice %arg3[%dma_wait3A_143, %dma_wait3A_144] : memref<100000x128xf32, #tpu.memory_space<hbm>> -> memref<100000x128xf32, #tpu.memory_space<hbm>>
      tpu.wait_indirect_dma semaphore(%arg15 : memref<!tpu.dma_semaphore, #tpu.memory_space<semaphore_mem>>) src(%dma_wait3A_145 : memref<100000x128xf32, #tpu.memory_space<hbm>>) dst(%dma_wait3A_140 : memref<48x128xf32, #tpu.memory_space<vmem>>)
      %dma_wait3A_146 = arith.constant 152 : i32
      %dma_wait3A_147 = arith.constant 0 : i32
      %dma_wait3A_148 = tpu.memref_slice %arg10[%dma_wait3A_146, %dma_wait3A_147] : memref<200x128xf32, #tpu.memory_space<vmem>> -> memref<48x128xf32, #tpu.memory_space<vmem>>
      %dma_wait3A_149 = arith.constant 152 : i32
      %dma_wait3A_150 = tpu.memref_slice %arg6[%dma_wait3A_149] : memref<200xi32, #tpu.memory_space<vmem>> -> memref<48xi32, #tpu.memory_space<vmem>>
      %dma_wait3A_151 = arith.constant 0 : i32
      %dma_wait3A_152 = arith.constant 0 : i32
      %dma_wait3A_153 = tpu.memref_slice %arg3[%dma_wait3A_151, %dma_wait3A_152] : memref<100000x128xf32, #tpu.memory_space<hbm>> -> memref<100000x128xf32, #tpu.memory_space<hbm>>
      tpu.wait_indirect_dma semaphore(%arg15 : memref<!tpu.dma_semaphore, #tpu.memory_space<semaphore_mem>>) src(%dma_wait3A_153 : memref<100000x128xf32, #tpu.memory_space<hbm>>) dst(%dma_wait3A_148 : memref<48x128xf32, #tpu.memory_space<vmem>>)
      %mul3A_154 = arith.constant 200 : i32
      %mul3A_155 = arith.muli %add3A_106, %mul3A_154 : i32
      %add3A_156 = arith.addi %mul3A_2, %mul3A_155 : i32
      %dma_start3A_157 = arith.constant 0 : i32
      %dma_start3A_158 = tpu.memref_slice %arg5[%add3A_156, %dma_start3A_157] : memref<204800x128xf32, #tpu.memory_space<hbm>> -> memref<200x128xf32, #tpu.memory_space<hbm>>
      %dma_start3A_159 = arith.constant 0 : i32
      %dma_start3A_160 = tpu.memref_slice %arg5[%add3A_156, %dma_start3A_159] : memref<204800x128xf32, #tpu.memory_space<hbm>> -> memref<200x128xf32, #tpu.memory_space<hbm>>
      tpu.enqueue_dma source(%arg10 : memref<200x128xf32, #tpu.memory_space<vmem>>) target(%dma_start3A_160 : memref<200x128xf32, #tpu.memory_space<hbm>>) target_semaphore(%arg19 : memref<!tpu.dma_semaphore, #tpu.memory_space<semaphore_mem>>)
      %mul3A_161 = arith.constant 4 : i32
      %mul3A_162 = arith.muli %scan3A_102, %mul3A_161 : i32
      %add3A_163 = arith.constant 1 : i32
      %add3A_164 = arith.addi %mul3A_162, %add3A_163 : i32
      %add3A_165 = arith.constant 3 : i32
      %add3A_166 = arith.addi %add3A_164, %add3A_165 : i32
      %lt3A_167 = arith.constant 32 : i32
      %lt3A_168 = arith.cmpi slt, %add3A_166, %lt3A_167 : i32
      %convert_element_type3A_169 = arith.extui %lt3A_168 : i1 to i32
      %cond3A_170 = arith.constant 0 : i32
      %cond3A_171 = arith.cmpi ne, %convert_element_type3A_169, %cond3A_170 : i32
      scf.if %cond3A_171 {
        %add3A_347 = arith.constant 3 : i32
        %add3A_348 = arith.addi %add3A_164, %add3A_347 : i32
        %mul3A_349 = arith.constant 200 : i32
        %mul3A_350 = arith.muli %add3A_348, %mul3A_349 : i32
        %add3A_351 = arith.addi %mul3A_2, %mul3A_350 : i32
        %dma_start3A_352 = tpu.memref_slice %arg2[%add3A_351] : memref<204800xi32, #tpu.memory_space<hbm>> -> memref<200xi32, #tpu.memory_space<hbm>>
        %dma_start3A_353 = tpu.memref_slice %arg2[%add3A_351] : memref<204800xi32, #tpu.memory_space<hbm>> -> memref<200xi32, #tpu.memory_space<hbm>>
        tpu.enqueue_dma source(%dma_start3A_353 : memref<200xi32, #tpu.memory_space<hbm>>) target(%arg6 : memref<200xi32, #tpu.memory_space<vmem>>) target_semaphore(%arg23 : memref<!tpu.dma_semaphore, #tpu.memory_space<semaphore_mem>>)
      } else {
      }
      %ge3A_172 = arith.constant 2 : i32
      %ge3A_173 = arith.cmpi sge, %add3A_164, %ge3A_172 : i32
      %convert_element_type3A_174 = arith.extui %ge3A_173 : i1 to i32
      %cond3A_175 = arith.constant 0 : i32
      %cond3A_176 = arith.cmpi ne, %convert_element_type3A_174, %cond3A_175 : i32
      scf.if %cond3A_176 {
        %sub3A = arith.constant 2 : i32
        %sub3A_347 = arith.subi %add3A_164, %sub3A : i32
        %mul3A_348 = arith.constant 200 : i32
        %mul3A_349 = arith.muli %sub3A_347, %mul3A_348 : i32
        %add3A_350 = arith.addi %mul3A_2, %mul3A_349 : i32
        %dma_wait3A_351 = arith.constant 0 : i32
        %dma_wait3A_352 = tpu.memref_slice %arg5[%add3A_350, %dma_wait3A_351] : memref<204800x128xf32, #tpu.memory_space<hbm>> -> memref<200x128xf32, #tpu.memory_space<hbm>>
        %dma_wait3A_353 = arith.constant 0 : i32
        %dma_wait3A_354 = tpu.memref_slice %arg5[%add3A_350, %dma_wait3A_353] : memref<204800x128xf32, #tpu.memory_space<hbm>> -> memref<200x128xf32, #tpu.memory_space<hbm>>
        tpu.wait_dma2 semaphore(%arg22 : memref<!tpu.dma_semaphore, #tpu.memory_space<semaphore_mem>>) src(%arg13 : memref<200x128xf32, #tpu.memory_space<vmem>>) dst(%dma_wait3A_354 : memref<200x128xf32, #tpu.memory_space<hbm>>)
      } else {
      }
      %add3A_177 = arith.constant 2 : i32
      %add3A_178 = arith.addi %add3A_164, %add3A_177 : i32
      %lt3A_179 = arith.constant 32 : i32
      %lt3A_180 = arith.cmpi slt, %add3A_178, %lt3A_179 : i32
      %convert_element_type3A_181 = arith.extui %lt3A_180 : i1 to i32
      %cond3A_182 = arith.constant 0 : i32
      %cond3A_183 = arith.cmpi ne, %convert_element_type3A_181, %cond3A_182 : i32
      scf.if %cond3A_183 {
        %add3A_347 = arith.constant 2 : i32
        %add3A_348 = arith.addi %add3A_164, %add3A_347 : i32
        %mul3A_349 = arith.constant 200 : i32
        %mul3A_350 = arith.muli %add3A_348, %mul3A_349 : i32
        %add3A_351 = arith.addi %mul3A_2, %mul3A_350 : i32
        %dma_wait3A_352 = tpu.memref_slice %arg2[%add3A_351] : memref<204800xi32, #tpu.memory_space<hbm>> -> memref<200xi32, #tpu.memory_space<hbm>>
        %dma_wait3A_353 = tpu.memref_slice %arg2[%add3A_351] : memref<204800xi32, #tpu.memory_space<hbm>> -> memref<200xi32, #tpu.memory_space<hbm>>
        tpu.wait_dma2 semaphore(%arg26 : memref<!tpu.dma_semaphore, #tpu.memory_space<semaphore_mem>>) src(%dma_wait3A_353 : memref<200xi32, #tpu.memory_space<hbm>>) dst(%arg9 : memref<200xi32, #tpu.memory_space<vmem>>)
        %dma_start3A_354 = arith.constant 0 : i32
        %dma_start3A_355 = arith.constant 0 : i32
        %dma_start3A_356 = tpu.memref_slice %arg13[%dma_start3A_354, %dma_start3A_355] : memref<200x128xf32, #tpu.memory_space<vmem>> -> memref<56x128xf32, #tpu.memory_space<vmem>>
        %dma_start3A_357 = arith.constant 0 : i32
        %dma_start3A_358 = tpu.memref_slice %arg9[%dma_start3A_357] : memref<200xi32, #tpu.memory_space<vmem>> -> memref<56xi32, #tpu.memory_space<vmem>>
        %dma_start3A_359 = arith.constant 0 : i32
        %dma_start3A_360 = arith.constant 0 : i32
        %dma_start3A_361 = tpu.memref_slice %arg3[%dma_start3A_359, %dma_start3A_360] : memref<100000x128xf32, #tpu.memory_space<hbm>> -> memref<100000x128xf32, #tpu.memory_space<hbm>>
        tpu.enqueue_indirect_dma source(%dma_start3A_361 : memref<100000x128xf32, #tpu.memory_space<hbm>>) target(%dma_start3A_356 : memref<56x128xf32, #tpu.memory_space<vmem>>) offsets(%dma_start3A_358 : memref<56xi32, #tpu.memory_space<vmem>>) semaphore(%arg18 : memref<!tpu.dma_semaphore, #tpu.memory_space<semaphore_mem>>)
        %dma_start3A_362 = arith.constant 56 : i32
        %dma_start3A_363 = arith.constant 0 : i32
        %dma_start3A_364 = tpu.memref_slice %arg13[%dma_start3A_362, %dma_start3A_363] : memref<200x128xf32, #tpu.memory_space<vmem>> -> memref<48x128xf32, #tpu.memory_space<vmem>>
        %dma_start3A_365 = arith.constant 56 : i32
        %dma_start3A_366 = tpu.memref_slice %arg9[%dma_start3A_365] : memref<200xi32, #tpu.memory_space<vmem>> -> memref<48xi32, #tpu.memory_space<vmem>>
        %dma_start3A_367 = arith.constant 0 : i32
        %dma_start3A_368 = arith.constant 0 : i32
        %dma_start3A_369 = tpu.memref_slice %arg3[%dma_start3A_367, %dma_start3A_368] : memref<100000x128xf32, #tpu.memory_space<hbm>> -> memref<100000x128xf32, #tpu.memory_space<hbm>>
        tpu.enqueue_indirect_dma source(%dma_start3A_369 : memref<100000x128xf32, #tpu.memory_space<hbm>>) target(%dma_start3A_364 : memref<48x128xf32, #tpu.memory_space<vmem>>) offsets(%dma_start3A_366 : memref<48xi32, #tpu.memory_space<vmem>>) semaphore(%arg18 : memref<!tpu.dma_semaphore, #tpu.memory_space<semaphore_mem>>)
        %dma_start3A_370 = arith.constant 104 : i32
        %dma_start3A_371 = arith.constant 0 : i32
        %dma_start3A_372 = tpu.memref_slice %arg13[%dma_start3A_370, %dma_start3A_371] : memref<200x128xf32, #tpu.memory_space<vmem>> -> memref<48x128xf32, #tpu.memory_space<vmem>>
        %dma_start3A_373 = arith.constant 104 : i32
        %dma_start3A_374 = tpu.memref_slice %arg9[%dma_start3A_373] : memref<200xi32, #tpu.memory_space<vmem>> -> memref<48xi32, #tpu.memory_space<vmem>>
        %dma_start3A_375 = arith.constant 0 : i32
        %dma_start3A_376 = arith.constant 0 : i32
        %dma_start3A_377 = tpu.memref_slice %arg3[%dma_start3A_375, %dma_start3A_376] : memref<100000x128xf32, #tpu.memory_space<hbm>> -> memref<100000x128xf32, #tpu.memory_space<hbm>>
        tpu.enqueue_indirect_dma source(%dma_start3A_377 : memref<100000x128xf32, #tpu.memory_space<hbm>>) target(%dma_start3A_372 : memref<48x128xf32, #tpu.memory_space<vmem>>) offsets(%dma_start3A_374 : memref<48xi32, #tpu.memory_space<vmem>>) semaphore(%arg18 : memref<!tpu.dma_semaphore, #tpu.memory_space<semaphore_mem>>)
        %dma_start3A_378 = arith.constant 152 : i32
        %dma_start3A_379 = arith.constant 0 : i32
        %dma_start3A_380 = tpu.memref_slice %arg13[%dma_start3A_378, %dma_start3A_379] : memref<200x128xf32, #tpu.memory_space<vmem>> -> memref<48x128xf32, #tpu.memory_space<vmem>>
        %dma_start3A_381 = arith.constant 152 : i32
        %dma_start3A_382 = tpu.memref_slice %arg9[%dma_start3A_381] : memref<200xi32, #tpu.memory_space<vmem>> -> memref<48xi32, #tpu.memory_space<vmem>>
        %dma_start3A_383 = arith.constant 0 : i32
        %dma_start3A_384 = arith.constant 0 : i32
        %dma_start3A_385 = tpu.memref_slice %arg3[%dma_start3A_383, %dma_start3A_384] : memref<100000x128xf32, #tpu.memory_space<hbm>> -> memref<100000x128xf32, #tpu.memory_space<hbm>>
        tpu.enqueue_indirect_dma source(%dma_start3A_385 : memref<100000x128xf32, #tpu.memory_space<hbm>>) target(%dma_start3A_380 : memref<48x128xf32, #tpu.memory_space<vmem>>) offsets(%dma_start3A_382 : memref<48xi32, #tpu.memory_space<vmem>>) semaphore(%arg18 : memref<!tpu.dma_semaphore, #tpu.memory_space<semaphore_mem>>)
      } else {
      }
      %dma_wait3A_184 = arith.constant 0 : i32
      %dma_wait3A_185 = arith.constant 0 : i32
      %dma_wait3A_186 = tpu.memref_slice %arg11[%dma_wait3A_184, %dma_wait3A_185] : memref<200x128xf32, #tpu.memory_space<vmem>> -> memref<56x128xf32, #tpu.memory_space<vmem>>
      %dma_wait3A_187 = arith.constant 0 : i32
      %dma_wait3A_188 = tpu.memref_slice %arg7[%dma_wait3A_187] : memref<200xi32, #tpu.memory_space<vmem>> -> memref<56xi32, #tpu.memory_space<vmem>>
      %dma_wait3A_189 = arith.constant 0 : i32
      %dma_wait3A_190 = arith.constant 0 : i32
      %dma_wait3A_191 = tpu.memref_slice %arg3[%dma_wait3A_189, %dma_wait3A_190] : memref<100000x128xf32, #tpu.memory_space<hbm>> -> memref<100000x128xf32, #tpu.memory_space<hbm>>
      tpu.wait_indirect_dma semaphore(%arg16 : memref<!tpu.dma_semaphore, #tpu.memory_space<semaphore_mem>>) src(%dma_wait3A_191 : memref<100000x128xf32, #tpu.memory_space<hbm>>) dst(%dma_wait3A_186 : memref<56x128xf32, #tpu.memory_space<vmem>>)
      %dma_wait3A_192 = arith.constant 56 : i32
      %dma_wait3A_193 = arith.constant 0 : i32
      %dma_wait3A_194 = tpu.memref_slice %arg11[%dma_wait3A_192, %dma_wait3A_193] : memref<200x128xf32, #tpu.memory_space<vmem>> -> memref<48x128xf32, #tpu.memory_space<vmem>>
      %dma_wait3A_195 = arith.constant 56 : i32
      %dma_wait3A_196 = tpu.memref_slice %arg7[%dma_wait3A_195] : memref<200xi32, #tpu.memory_space<vmem>> -> memref<48xi32, #tpu.memory_space<vmem>>
      %dma_wait3A_197 = arith.constant 0 : i32
      %dma_wait3A_198 = arith.constant 0 : i32
      %dma_wait3A_199 = tpu.memref_slice %arg3[%dma_wait3A_197, %dma_wait3A_198] : memref<100000x128xf32, #tpu.memory_space<hbm>> -> memref<100000x128xf32, #tpu.memory_space<hbm>>
      tpu.wait_indirect_dma semaphore(%arg16 : memref<!tpu.dma_semaphore, #tpu.memory_space<semaphore_mem>>) src(%dma_wait3A_199 : memref<100000x128xf32, #tpu.memory_space<hbm>>) dst(%dma_wait3A_194 : memref<48x128xf32, #tpu.memory_space<vmem>>)
      %dma_wait3A_200 = arith.constant 104 : i32
      %dma_wait3A_201 = arith.constant 0 : i32
      %dma_wait3A_202 = tpu.memref_slice %arg11[%dma_wait3A_200, %dma_wait3A_201] : memref<200x128xf32, #tpu.memory_space<vmem>> -> memref<48x128xf32, #tpu.memory_space<vmem>>
      %dma_wait3A_203 = arith.constant 104 : i32
      %dma_wait3A_204 = tpu.memref_slice %arg7[%dma_wait3A_203] : memref<200xi32, #tpu.memory_space<vmem>> -> memref<48xi32, #tpu.memory_space<vmem>>
      %dma_wait3A_205 = arith.constant 0 : i32
      %dma_wait3A_206 = arith.constant 0 : i32
      %dma_wait3A_207 = tpu.memref_slice %arg3[%dma_wait3A_205, %dma_wait3A_206] : memref<100000x128xf32, #tpu.memory_space<hbm>> -> memref<100000x128xf32, #tpu.memory_space<hbm>>
      tpu.wait_indirect_dma semaphore(%arg16 : memref<!tpu.dma_semaphore, #tpu.memory_space<semaphore_mem>>) src(%dma_wait3A_207 : memref<100000x128xf32, #tpu.memory_space<hbm>>) dst(%dma_wait3A_202 : memref<48x128xf32, #tpu.memory_space<vmem>>)
      %dma_wait3A_208 = arith.constant 152 : i32
      %dma_wait3A_209 = arith.constant 0 : i32
      %dma_wait3A_210 = tpu.memref_slice %arg11[%dma_wait3A_208, %dma_wait3A_209] : memref<200x128xf32, #tpu.memory_space<vmem>> -> memref<48x128xf32, #tpu.memory_space<vmem>>
      %dma_wait3A_211 = arith.constant 152 : i32
      %dma_wait3A_212 = tpu.memref_slice %arg7[%dma_wait3A_211] : memref<200xi32, #tpu.memory_space<vmem>> -> memref<48xi32, #tpu.memory_space<vmem>>
      %dma_wait3A_213 = arith.constant 0 : i32
      %dma_wait3A_214 = arith.constant 0 : i32
      %dma_wait3A_215 = tpu.memref_slice %arg3[%dma_wait3A_213, %dma_wait3A_214] : memref<100000x128xf32, #tpu.memory_space<hbm>> -> memref<100000x128xf32, #tpu.memory_space<hbm>>
      tpu.wait_indirect_dma semaphore(%arg16 : memref<!tpu.dma_semaphore, #tpu.memory_space<semaphore_mem>>) src(%dma_wait3A_215 : memref<100000x128xf32, #tpu.memory_space<hbm>>) dst(%dma_wait3A_210 : memref<48x128xf32, #tpu.memory_space<vmem>>)
      %mul3A_216 = arith.constant 200 : i32
      %mul3A_217 = arith.muli %add3A_164, %mul3A_216 : i32
      %add3A_218 = arith.addi %mul3A_2, %mul3A_217 : i32
      %dma_start3A_219 = arith.constant 0 : i32
      %dma_start3A_220 = tpu.memref_slice %arg5[%add3A_218, %dma_start3A_219] : memref<204800x128xf32, #tpu.memory_space<hbm>> -> memref<200x128xf32, #tpu.memory_space<hbm>>
      %dma_start3A_221 = arith.constant 0 : i32
      %dma_start3A_222 = tpu.memref_slice %arg5[%add3A_218, %dma_start3A_221] : memref<204800x128xf32, #tpu.memory_space<hbm>> -> memref<200x128xf32, #tpu.memory_space<hbm>>
      tpu.enqueue_dma source(%arg11 : memref<200x128xf32, #tpu.memory_space<vmem>>) target(%dma_start3A_222 : memref<200x128xf32, #tpu.memory_space<hbm>>) target_semaphore(%arg20 : memref<!tpu.dma_semaphore, #tpu.memory_space<semaphore_mem>>)
      %mul3A_223 = arith.constant 4 : i32
      %mul3A_224 = arith.muli %scan3A_102, %mul3A_223 : i32
      %add3A_225 = arith.constant 2 : i32
      %add3A_226 = arith.addi %mul3A_224, %add3A_225 : i32
      %add3A_227 = arith.constant 3 : i32
      %add3A_228 = arith.addi %add3A_226, %add3A_227 : i32
      %lt3A_229 = arith.constant 32 : i32
      %lt3A_230 = arith.cmpi slt, %add3A_228, %lt3A_229 : i32
      %convert_element_type3A_231 = arith.extui %lt3A_230 : i1 to i32
      %cond3A_232 = arith.constant 0 : i32
      %cond3A_233 = arith.cmpi ne, %convert_element_type3A_231, %cond3A_232 : i32
      scf.if %cond3A_233 {
        %add3A_347 = arith.constant 3 : i32
        %add3A_348 = arith.addi %add3A_226, %add3A_347 : i32
        %mul3A_349 = arith.constant 200 : i32
        %mul3A_350 = arith.muli %add3A_348, %mul3A_349 : i32
        %add3A_351 = arith.addi %mul3A_2, %mul3A_350 : i32
        %dma_start3A_352 = tpu.memref_slice %arg2[%add3A_351] : memref<204800xi32, #tpu.memory_space<hbm>> -> memref<200xi32, #tpu.memory_space<hbm>>
        %dma_start3A_353 = tpu.memref_slice %arg2[%add3A_351] : memref<204800xi32, #tpu.memory_space<hbm>> -> memref<200xi32, #tpu.memory_space<hbm>>
        tpu.enqueue_dma source(%dma_start3A_353 : memref<200xi32, #tpu.memory_space<hbm>>) target(%arg7 : memref<200xi32, #tpu.memory_space<vmem>>) target_semaphore(%arg24 : memref<!tpu.dma_semaphore, #tpu.memory_space<semaphore_mem>>)
      } else {
      }
      %ge3A_234 = arith.constant 2 : i32
      %ge3A_235 = arith.cmpi sge, %add3A_226, %ge3A_234 : i32
      %convert_element_type3A_236 = arith.extui %ge3A_235 : i1 to i32
      %cond3A_237 = arith.constant 0 : i32
      %cond3A_238 = arith.cmpi ne, %convert_element_type3A_236, %cond3A_237 : i32
      scf.if %cond3A_238 {
        %sub3A = arith.constant 2 : i32
        %sub3A_347 = arith.subi %add3A_226, %sub3A : i32
        %mul3A_348 = arith.constant 200 : i32
        %mul3A_349 = arith.muli %sub3A_347, %mul3A_348 : i32
        %add3A_350 = arith.addi %mul3A_2, %mul3A_349 : i32
        %dma_wait3A_351 = arith.constant 0 : i32
        %dma_wait3A_352 = tpu.memref_slice %arg5[%add3A_350, %dma_wait3A_351] : memref<204800x128xf32, #tpu.memory_space<hbm>> -> memref<200x128xf32, #tpu.memory_space<hbm>>
        %dma_wait3A_353 = arith.constant 0 : i32
        %dma_wait3A_354 = tpu.memref_slice %arg5[%add3A_350, %dma_wait3A_353] : memref<204800x128xf32, #tpu.memory_space<hbm>> -> memref<200x128xf32, #tpu.memory_space<hbm>>
        tpu.wait_dma2 semaphore(%arg19 : memref<!tpu.dma_semaphore, #tpu.memory_space<semaphore_mem>>) src(%arg10 : memref<200x128xf32, #tpu.memory_space<vmem>>) dst(%dma_wait3A_354 : memref<200x128xf32, #tpu.memory_space<hbm>>)
      } else {
      }
      %add3A_239 = arith.constant 2 : i32
      %add3A_240 = arith.addi %add3A_226, %add3A_239 : i32
      %lt3A_241 = arith.constant 32 : i32
      %lt3A_242 = arith.cmpi slt, %add3A_240, %lt3A_241 : i32
      %convert_element_type3A_243 = arith.extui %lt3A_242 : i1 to i32
      %cond3A_244 = arith.constant 0 : i32
      %cond3A_245 = arith.cmpi ne, %convert_element_type3A_243, %cond3A_244 : i32
      scf.if %cond3A_245 {
        %add3A_347 = arith.constant 2 : i32
        %add3A_348 = arith.addi %add3A_226, %add3A_347 : i32
        %mul3A_349 = arith.constant 200 : i32
        %mul3A_350 = arith.muli %add3A_348, %mul3A_349 : i32
        %add3A_351 = arith.addi %mul3A_2, %mul3A_350 : i32
        %dma_wait3A_352 = tpu.memref_slice %arg2[%add3A_351] : memref<204800xi32, #tpu.memory_space<hbm>> -> memref<200xi32, #tpu.memory_space<hbm>>
        %dma_wait3A_353 = tpu.memref_slice %arg2[%add3A_351] : memref<204800xi32, #tpu.memory_space<hbm>> -> memref<200xi32, #tpu.memory_space<hbm>>
        tpu.wait_dma2 semaphore(%arg23 : memref<!tpu.dma_semaphore, #tpu.memory_space<semaphore_mem>>) src(%dma_wait3A_353 : memref<200xi32, #tpu.memory_space<hbm>>) dst(%arg6 : memref<200xi32, #tpu.memory_space<vmem>>)
        %dma_start3A_354 = arith.constant 0 : i32
        %dma_start3A_355 = arith.constant 0 : i32
        %dma_start3A_356 = tpu.memref_slice %arg10[%dma_start3A_354, %dma_start3A_355] : memref<200x128xf32, #tpu.memory_space<vmem>> -> memref<56x128xf32, #tpu.memory_space<vmem>>
        %dma_start3A_357 = arith.constant 0 : i32
        %dma_start3A_358 = tpu.memref_slice %arg6[%dma_start3A_357] : memref<200xi32, #tpu.memory_space<vmem>> -> memref<56xi32, #tpu.memory_space<vmem>>
        %dma_start3A_359 = arith.constant 0 : i32
        %dma_start3A_360 = arith.constant 0 : i32
        %dma_start3A_361 = tpu.memref_slice %arg3[%dma_start3A_359, %dma_start3A_360] : memref<100000x128xf32, #tpu.memory_space<hbm>> -> memref<100000x128xf32, #tpu.memory_space<hbm>>
        tpu.enqueue_indirect_dma source(%dma_start3A_361 : memref<100000x128xf32, #tpu.memory_space<hbm>>) target(%dma_start3A_356 : memref<56x128xf32, #tpu.memory_space<vmem>>) offsets(%dma_start3A_358 : memref<56xi32, #tpu.memory_space<vmem>>) semaphore(%arg15 : memref<!tpu.dma_semaphore, #tpu.memory_space<semaphore_mem>>)
        %dma_start3A_362 = arith.constant 56 : i32
        %dma_start3A_363 = arith.constant 0 : i32
        %dma_start3A_364 = tpu.memref_slice %arg10[%dma_start3A_362, %dma_start3A_363] : memref<200x128xf32, #tpu.memory_space<vmem>> -> memref<48x128xf32, #tpu.memory_space<vmem>>
        %dma_start3A_365 = arith.constant 56 : i32
        %dma_start3A_366 = tpu.memref_slice %arg6[%dma_start3A_365] : memref<200xi32, #tpu.memory_space<vmem>> -> memref<48xi32, #tpu.memory_space<vmem>>
        %dma_start3A_367 = arith.constant 0 : i32
        %dma_start3A_368 = arith.constant 0 : i32
        %dma_start3A_369 = tpu.memref_slice %arg3[%dma_start3A_367, %dma_start3A_368] : memref<100000x128xf32, #tpu.memory_space<hbm>> -> memref<100000x128xf32, #tpu.memory_space<hbm>>
        tpu.enqueue_indirect_dma source(%dma_start3A_369 : memref<100000x128xf32, #tpu.memory_space<hbm>>) target(%dma_start3A_364 : memref<48x128xf32, #tpu.memory_space<vmem>>) offsets(%dma_start3A_366 : memref<48xi32, #tpu.memory_space<vmem>>) semaphore(%arg15 : memref<!tpu.dma_semaphore, #tpu.memory_space<semaphore_mem>>)
        %dma_start3A_370 = arith.constant 104 : i32
        %dma_start3A_371 = arith.constant 0 : i32
        %dma_start3A_372 = tpu.memref_slice %arg10[%dma_start3A_370, %dma_start3A_371] : memref<200x128xf32, #tpu.memory_space<vmem>> -> memref<48x128xf32, #tpu.memory_space<vmem>>
        %dma_start3A_373 = arith.constant 104 : i32
        %dma_start3A_374 = tpu.memref_slice %arg6[%dma_start3A_373] : memref<200xi32, #tpu.memory_space<vmem>> -> memref<48xi32, #tpu.memory_space<vmem>>
        %dma_start3A_375 = arith.constant 0 : i32
        %dma_start3A_376 = arith.constant 0 : i32
        %dma_start3A_377 = tpu.memref_slice %arg3[%dma_start3A_375, %dma_start3A_376] : memref<100000x128xf32, #tpu.memory_space<hbm>> -> memref<100000x128xf32, #tpu.memory_space<hbm>>
        tpu.enqueue_indirect_dma source(%dma_start3A_377 : memref<100000x128xf32, #tpu.memory_space<hbm>>) target(%dma_start3A_372 : memref<48x128xf32, #tpu.memory_space<vmem>>) offsets(%dma_start3A_374 : memref<48xi32, #tpu.memory_space<vmem>>) semaphore(%arg15 : memref<!tpu.dma_semaphore, #tpu.memory_space<semaphore_mem>>)
        %dma_start3A_378 = arith.constant 152 : i32
        %dma_start3A_379 = arith.constant 0 : i32
        %dma_start3A_380 = tpu.memref_slice %arg10[%dma_start3A_378, %dma_start3A_379] : memref<200x128xf32, #tpu.memory_space<vmem>> -> memref<48x128xf32, #tpu.memory_space<vmem>>
        %dma_start3A_381 = arith.constant 152 : i32
        %dma_start3A_382 = tpu.memref_slice %arg6[%dma_start3A_381] : memref<200xi32, #tpu.memory_space<vmem>> -> memref<48xi32, #tpu.memory_space<vmem>>
        %dma_start3A_383 = arith.constant 0 : i32
        %dma_start3A_384 = arith.constant 0 : i32
        %dma_start3A_385 = tpu.memref_slice %arg3[%dma_start3A_383, %dma_start3A_384] : memref<100000x128xf32, #tpu.memory_space<hbm>> -> memref<100000x128xf32, #tpu.memory_space<hbm>>
        tpu.enqueue_indirect_dma source(%dma_start3A_385 : memref<100000x128xf32, #tpu.memory_space<hbm>>) target(%dma_start3A_380 : memref<48x128xf32, #tpu.memory_space<vmem>>) offsets(%dma_start3A_382 : memref<48xi32, #tpu.memory_space<vmem>>) semaphore(%arg15 : memref<!tpu.dma_semaphore, #tpu.memory_space<semaphore_mem>>)
      } else {
      }
      %dma_wait3A_246 = arith.constant 0 : i32
      %dma_wait3A_247 = arith.constant 0 : i32
      %dma_wait3A_248 = tpu.memref_slice %arg12[%dma_wait3A_246, %dma_wait3A_247] : memref<200x128xf32, #tpu.memory_space<vmem>> -> memref<56x128xf32, #tpu.memory_space<vmem>>
      %dma_wait3A_249 = arith.constant 0 : i32
      %dma_wait3A_250 = tpu.memref_slice %arg8[%dma_wait3A_249] : memref<200xi32, #tpu.memory_space<vmem>> -> memref<56xi32, #tpu.memory_space<vmem>>
      %dma_wait3A_251 = arith.constant 0 : i32
      %dma_wait3A_252 = arith.constant 0 : i32
      %dma_wait3A_253 = tpu.memref_slice %arg3[%dma_wait3A_251, %dma_wait3A_252] : memref<100000x128xf32, #tpu.memory_space<hbm>> -> memref<100000x128xf32, #tpu.memory_space<hbm>>
      tpu.wait_indirect_dma semaphore(%arg17 : memref<!tpu.dma_semaphore, #tpu.memory_space<semaphore_mem>>) src(%dma_wait3A_253 : memref<100000x128xf32, #tpu.memory_space<hbm>>) dst(%dma_wait3A_248 : memref<56x128xf32, #tpu.memory_space<vmem>>)
      %dma_wait3A_254 = arith.constant 56 : i32
      %dma_wait3A_255 = arith.constant 0 : i32
      %dma_wait3A_256 = tpu.memref_slice %arg12[%dma_wait3A_254, %dma_wait3A_255] : memref<200x128xf32, #tpu.memory_space<vmem>> -> memref<48x128xf32, #tpu.memory_space<vmem>>
      %dma_wait3A_257 = arith.constant 56 : i32
      %dma_wait3A_258 = tpu.memref_slice %arg8[%dma_wait3A_257] : memref<200xi32, #tpu.memory_space<vmem>> -> memref<48xi32, #tpu.memory_space<vmem>>
      %dma_wait3A_259 = arith.constant 0 : i32
      %dma_wait3A_260 = arith.constant 0 : i32
      %dma_wait3A_261 = tpu.memref_slice %arg3[%dma_wait3A_259, %dma_wait3A_260] : memref<100000x128xf32, #tpu.memory_space<hbm>> -> memref<100000x128xf32, #tpu.memory_space<hbm>>
      tpu.wait_indirect_dma semaphore(%arg17 : memref<!tpu.dma_semaphore, #tpu.memory_space<semaphore_mem>>) src(%dma_wait3A_261 : memref<100000x128xf32, #tpu.memory_space<hbm>>) dst(%dma_wait3A_256 : memref<48x128xf32, #tpu.memory_space<vmem>>)
      %dma_wait3A_262 = arith.constant 104 : i32
      %dma_wait3A_263 = arith.constant 0 : i32
      %dma_wait3A_264 = tpu.memref_slice %arg12[%dma_wait3A_262, %dma_wait3A_263] : memref<200x128xf32, #tpu.memory_space<vmem>> -> memref<48x128xf32, #tpu.memory_space<vmem>>
      %dma_wait3A_265 = arith.constant 104 : i32
      %dma_wait3A_266 = tpu.memref_slice %arg8[%dma_wait3A_265] : memref<200xi32, #tpu.memory_space<vmem>> -> memref<48xi32, #tpu.memory_space<vmem>>
      %dma_wait3A_267 = arith.constant 0 : i32
      %dma_wait3A_268 = arith.constant 0 : i32
      %dma_wait3A_269 = tpu.memref_slice %arg3[%dma_wait3A_267, %dma_wait3A_268] : memref<100000x128xf32, #tpu.memory_space<hbm>> -> memref<100000x128xf32, #tpu.memory_space<hbm>>
      tpu.wait_indirect_dma semaphore(%arg17 : memref<!tpu.dma_semaphore, #tpu.memory_space<semaphore_mem>>) src(%dma_wait3A_269 : memref<100000x128xf32, #tpu.memory_space<hbm>>) dst(%dma_wait3A_264 : memref<48x128xf32, #tpu.memory_space<vmem>>)
      %dma_wait3A_270 = arith.constant 152 : i32
      %dma_wait3A_271 = arith.constant 0 : i32
      %dma_wait3A_272 = tpu.memref_slice %arg12[%dma_wait3A_270, %dma_wait3A_271] : memref<200x128xf32, #tpu.memory_space<vmem>> -> memref<48x128xf32, #tpu.memory_space<vmem>>
      %dma_wait3A_273 = arith.constant 152 : i32
      %dma_wait3A_274 = tpu.memref_slice %arg8[%dma_wait3A_273] : memref<200xi32, #tpu.memory_space<vmem>> -> memref<48xi32, #tpu.memory_space<vmem>>
      %dma_wait3A_275 = arith.constant 0 : i32
      %dma_wait3A_276 = arith.constant 0 : i32
      %dma_wait3A_277 = tpu.memref_slice %arg3[%dma_wait3A_275, %dma_wait3A_276] : memref<100000x128xf32, #tpu.memory_space<hbm>> -> memref<100000x128xf32, #tpu.memory_space<hbm>>
      tpu.wait_indirect_dma semaphore(%arg17 : memref<!tpu.dma_semaphore, #tpu.memory_space<semaphore_mem>>) src(%dma_wait3A_277 : memref<100000x128xf32, #tpu.memory_space<hbm>>) dst(%dma_wait3A_272 : memref<48x128xf32, #tpu.memory_space<vmem>>)
      %mul3A_278 = arith.constant 200 : i32
      %mul3A_279 = arith.muli %add3A_226, %mul3A_278 : i32
      %add3A_280 = arith.addi %mul3A_2, %mul3A_279 : i32
      %dma_start3A_281 = arith.constant 0 : i32
      %dma_start3A_282 = tpu.memref_slice %arg5[%add3A_280, %dma_start3A_281] : memref<204800x128xf32, #tpu.memory_space<hbm>> -> memref<200x128xf32, #tpu.memory_space<hbm>>
      %dma_start3A_283 = arith.constant 0 : i32
      %dma_start3A_284 = tpu.memref_slice %arg5[%add3A_280, %dma_start3A_283] : memref<204800x128xf32, #tpu.memory_space<hbm>> -> memref<200x128xf32, #tpu.memory_space<hbm>>
      tpu.enqueue_dma source(%arg12 : memref<200x128xf32, #tpu.memory_space<vmem>>) target(%dma_start3A_284 : memref<200x128xf32, #tpu.memory_space<hbm>>) target_semaphore(%arg21 : memref<!tpu.dma_semaphore, #tpu.memory_space<semaphore_mem>>)
      %mul3A_285 = arith.constant 4 : i32
      %mul3A_286 = arith.muli %scan3A_102, %mul3A_285 : i32
      %add3A_287 = arith.constant 3 : i32
      %add3A_288 = arith.addi %mul3A_286, %add3A_287 : i32
      %add3A_289 = arith.constant 3 : i32
      %add3A_290 = arith.addi %add3A_288, %add3A_289 : i32
      %lt3A_291 = arith.constant 32 : i32
      %lt3A_292 = arith.cmpi slt, %add3A_290, %lt3A_291 : i32
      %convert_element_type3A_293 = arith.extui %lt3A_292 : i1 to i32
      %cond3A_294 = arith.constant 0 : i32
      %cond3A_295 = arith.cmpi ne, %convert_element_type3A_293, %cond3A_294 : i32
      scf.if %cond3A_295 {
        %add3A_347 = arith.constant 3 : i32
        %add3A_348 = arith.addi %add3A_288, %add3A_347 : i32
        %mul3A_349 = arith.constant 200 : i32
        %mul3A_350 = arith.muli %add3A_348, %mul3A_349 : i32
        %add3A_351 = arith.addi %mul3A_2, %mul3A_350 : i32
        %dma_start3A_352 = tpu.memref_slice %arg2[%add3A_351] : memref<204800xi32, #tpu.memory_space<hbm>> -> memref<200xi32, #tpu.memory_space<hbm>>
        %dma_start3A_353 = tpu.memref_slice %arg2[%add3A_351] : memref<204800xi32, #tpu.memory_space<hbm>> -> memref<200xi32, #tpu.memory_space<hbm>>
        tpu.enqueue_dma source(%dma_start3A_353 : memref<200xi32, #tpu.memory_space<hbm>>) target(%arg8 : memref<200xi32, #tpu.memory_space<vmem>>) target_semaphore(%arg25 : memref<!tpu.dma_semaphore, #tpu.memory_space<semaphore_mem>>)
      } else {
      }
      %ge3A_296 = arith.constant 2 : i32
      %ge3A_297 = arith.cmpi sge, %add3A_288, %ge3A_296 : i32
      %convert_element_type3A_298 = arith.extui %ge3A_297 : i1 to i32
      %cond3A_299 = arith.constant 0 : i32
      %cond3A_300 = arith.cmpi ne, %convert_element_type3A_298, %cond3A_299 : i32
      scf.if %cond3A_300 {
        %sub3A = arith.constant 2 : i32
        %sub3A_347 = arith.subi %add3A_288, %sub3A : i32
        %mul3A_348 = arith.constant 200 : i32
        %mul3A_349 = arith.muli %sub3A_347, %mul3A_348 : i32
        %add3A_350 = arith.addi %mul3A_2, %mul3A_349 : i32
        %dma_wait3A_351 = arith.constant 0 : i32
        %dma_wait3A_352 = tpu.memref_slice %arg5[%add3A_350, %dma_wait3A_351] : memref<204800x128xf32, #tpu.memory_space<hbm>> -> memref<200x128xf32, #tpu.memory_space<hbm>>
        %dma_wait3A_353 = arith.constant 0 : i32
        %dma_wait3A_354 = tpu.memref_slice %arg5[%add3A_350, %dma_wait3A_353] : memref<204800x128xf32, #tpu.memory_space<hbm>> -> memref<200x128xf32, #tpu.memory_space<hbm>>
        tpu.wait_dma2 semaphore(%arg20 : memref<!tpu.dma_semaphore, #tpu.memory_space<semaphore_mem>>) src(%arg11 : memref<200x128xf32, #tpu.memory_space<vmem>>) dst(%dma_wait3A_354 : memref<200x128xf32, #tpu.memory_space<hbm>>)
      } else {
      }
      %add3A_301 = arith.constant 2 : i32
      %add3A_302 = arith.addi %add3A_288, %add3A_301 : i32
      %lt3A_303 = arith.constant 32 : i32
      %lt3A_304 = arith.cmpi slt, %add3A_302, %lt3A_303 : i32
      %convert_element_type3A_305 = arith.extui %lt3A_304 : i1 to i32
      %cond3A_306 = arith.constant 0 : i32
      %cond3A_307 = arith.cmpi ne, %convert_element_type3A_305, %cond3A_306 : i32
      scf.if %cond3A_307 {
        %add3A_347 = arith.constant 2 : i32
        %add3A_348 = arith.addi %add3A_288, %add3A_347 : i32
        %mul3A_349 = arith.constant 200 : i32
        %mul3A_350 = arith.muli %add3A_348, %mul3A_349 : i32
        %add3A_351 = arith.addi %mul3A_2, %mul3A_350 : i32
        %dma_wait3A_352 = tpu.memref_slice %arg2[%add3A_351] : memref<204800xi32, #tpu.memory_space<hbm>> -> memref<200xi32, #tpu.memory_space<hbm>>
        %dma_wait3A_353 = tpu.memref_slice %arg2[%add3A_351] : memref<204800xi32, #tpu.memory_space<hbm>> -> memref<200xi32, #tpu.memory_space<hbm>>
        tpu.wait_dma2 semaphore(%arg24 : memref<!tpu.dma_semaphore, #tpu.memory_space<semaphore_mem>>) src(%dma_wait3A_353 : memref<200xi32, #tpu.memory_space<hbm>>) dst(%arg7 : memref<200xi32, #tpu.memory_space<vmem>>)
        %dma_start3A_354 = arith.constant 0 : i32
        %dma_start3A_355 = arith.constant 0 : i32
        %dma_start3A_356 = tpu.memref_slice %arg11[%dma_start3A_354, %dma_start3A_355] : memref<200x128xf32, #tpu.memory_space<vmem>> -> memref<56x128xf32, #tpu.memory_space<vmem>>
        %dma_start3A_357 = arith.constant 0 : i32
        %dma_start3A_358 = tpu.memref_slice %arg7[%dma_start3A_357] : memref<200xi32, #tpu.memory_space<vmem>> -> memref<56xi32, #tpu.memory_space<vmem>>
        %dma_start3A_359 = arith.constant 0 : i32
        %dma_start3A_360 = arith.constant 0 : i32
        %dma_start3A_361 = tpu.memref_slice %arg3[%dma_start3A_359, %dma_start3A_360] : memref<100000x128xf32, #tpu.memory_space<hbm>> -> memref<100000x128xf32, #tpu.memory_space<hbm>>
        tpu.enqueue_indirect_dma source(%dma_start3A_361 : memref<100000x128xf32, #tpu.memory_space<hbm>>) target(%dma_start3A_356 : memref<56x128xf32, #tpu.memory_space<vmem>>) offsets(%dma_start3A_358 : memref<56xi32, #tpu.memory_space<vmem>>) semaphore(%arg16 : memref<!tpu.dma_semaphore, #tpu.memory_space<semaphore_mem>>)
        %dma_start3A_362 = arith.constant 56 : i32
        %dma_start3A_363 = arith.constant 0 : i32
        %dma_start3A_364 = tpu.memref_slice %arg11[%dma_start3A_362, %dma_start3A_363] : memref<200x128xf32, #tpu.memory_space<vmem>> -> memref<48x128xf32, #tpu.memory_space<vmem>>
        %dma_start3A_365 = arith.constant 56 : i32
        %dma_start3A_366 = tpu.memref_slice %arg7[%dma_start3A_365] : memref<200xi32, #tpu.memory_space<vmem>> -> memref<48xi32, #tpu.memory_space<vmem>>
        %dma_start3A_367 = arith.constant 0 : i32
        %dma_start3A_368 = arith.constant 0 : i32
        %dma_start3A_369 = tpu.memref_slice %arg3[%dma_start3A_367, %dma_start3A_368] : memref<100000x128xf32, #tpu.memory_space<hbm>> -> memref<100000x128xf32, #tpu.memory_space<hbm>>
        tpu.enqueue_indirect_dma source(%dma_start3A_369 : memref<100000x128xf32, #tpu.memory_space<hbm>>) target(%dma_start3A_364 : memref<48x128xf32, #tpu.memory_space<vmem>>) offsets(%dma_start3A_366 : memref<48xi32, #tpu.memory_space<vmem>>) semaphore(%arg16 : memref<!tpu.dma_semaphore, #tpu.memory_space<semaphore_mem>>)
        %dma_start3A_370 = arith.constant 104 : i32
        %dma_start3A_371 = arith.constant 0 : i32
        %dma_start3A_372 = tpu.memref_slice %arg11[%dma_start3A_370, %dma_start3A_371] : memref<200x128xf32, #tpu.memory_space<vmem>> -> memref<48x128xf32, #tpu.memory_space<vmem>>
        %dma_start3A_373 = arith.constant 104 : i32
        %dma_start3A_374 = tpu.memref_slice %arg7[%dma_start3A_373] : memref<200xi32, #tpu.memory_space<vmem>> -> memref<48xi32, #tpu.memory_space<vmem>>
        %dma_start3A_375 = arith.constant 0 : i32
        %dma_start3A_376 = arith.constant 0 : i32
        %dma_start3A_377 = tpu.memref_slice %arg3[%dma_start3A_375, %dma_start3A_376] : memref<100000x128xf32, #tpu.memory_space<hbm>> -> memref<100000x128xf32, #tpu.memory_space<hbm>>
        tpu.enqueue_indirect_dma source(%dma_start3A_377 : memref<100000x128xf32, #tpu.memory_space<hbm>>) target(%dma_start3A_372 : memref<48x128xf32, #tpu.memory_space<vmem>>) offsets(%dma_start3A_374 : memref<48xi32, #tpu.memory_space<vmem>>) semaphore(%arg16 : memref<!tpu.dma_semaphore, #tpu.memory_space<semaphore_mem>>)
        %dma_start3A_378 = arith.constant 152 : i32
        %dma_start3A_379 = arith.constant 0 : i32
        %dma_start3A_380 = tpu.memref_slice %arg11[%dma_start3A_378, %dma_start3A_379] : memref<200x128xf32, #tpu.memory_space<vmem>> -> memref<48x128xf32, #tpu.memory_space<vmem>>
        %dma_start3A_381 = arith.constant 152 : i32
        %dma_start3A_382 = tpu.memref_slice %arg7[%dma_start3A_381] : memref<200xi32, #tpu.memory_space<vmem>> -> memref<48xi32, #tpu.memory_space<vmem>>
        %dma_start3A_383 = arith.constant 0 : i32
        %dma_start3A_384 = arith.constant 0 : i32
        %dma_start3A_385 = tpu.memref_slice %arg3[%dma_start3A_383, %dma_start3A_384] : memref<100000x128xf32, #tpu.memory_space<hbm>> -> memref<100000x128xf32, #tpu.memory_space<hbm>>
        tpu.enqueue_indirect_dma source(%dma_start3A_385 : memref<100000x128xf32, #tpu.memory_space<hbm>>) target(%dma_start3A_380 : memref<48x128xf32, #tpu.memory_space<vmem>>) offsets(%dma_start3A_382 : memref<48xi32, #tpu.memory_space<vmem>>) semaphore(%arg16 : memref<!tpu.dma_semaphore, #tpu.memory_space<semaphore_mem>>)
      } else {
      }
      %dma_wait3A_308 = arith.constant 0 : i32
      %dma_wait3A_309 = arith.constant 0 : i32
      %dma_wait3A_310 = tpu.memref_slice %arg13[%dma_wait3A_308, %dma_wait3A_309] : memref<200x128xf32, #tpu.memory_space<vmem>> -> memref<56x128xf32, #tpu.memory_space<vmem>>
      %dma_wait3A_311 = arith.constant 0 : i32
      %dma_wait3A_312 = tpu.memref_slice %arg9[%dma_wait3A_311] : memref<200xi32, #tpu.memory_space<vmem>> -> memref<56xi32, #tpu.memory_space<vmem>>
      %dma_wait3A_313 = arith.constant 0 : i32
      %dma_wait3A_314 = arith.constant 0 : i32
      %dma_wait3A_315 = tpu.memref_slice %arg3[%dma_wait3A_313, %dma_wait3A_314] : memref<100000x128xf32, #tpu.memory_space<hbm>> -> memref<100000x128xf32, #tpu.memory_space<hbm>>
      tpu.wait_indirect_dma semaphore(%arg18 : memref<!tpu.dma_semaphore, #tpu.memory_space<semaphore_mem>>) src(%dma_wait3A_315 : memref<100000x128xf32, #tpu.memory_space<hbm>>) dst(%dma_wait3A_310 : memref<56x128xf32, #tpu.memory_space<vmem>>)
      %dma_wait3A_316 = arith.constant 56 : i32
      %dma_wait3A_317 = arith.constant 0 : i32
      %dma_wait3A_318 = tpu.memref_slice %arg13[%dma_wait3A_316, %dma_wait3A_317] : memref<200x128xf32, #tpu.memory_space<vmem>> -> memref<48x128xf32, #tpu.memory_space<vmem>>
      %dma_wait3A_319 = arith.constant 56 : i32
      %dma_wait3A_320 = tpu.memref_slice %arg9[%dma_wait3A_319] : memref<200xi32, #tpu.memory_space<vmem>> -> memref<48xi32, #tpu.memory_space<vmem>>
      %dma_wait3A_321 = arith.constant 0 : i32
      %dma_wait3A_322 = arith.constant 0 : i32
      %dma_wait3A_323 = tpu.memref_slice %arg3[%dma_wait3A_321, %dma_wait3A_322] : memref<100000x128xf32, #tpu.memory_space<hbm>> -> memref<100000x128xf32, #tpu.memory_space<hbm>>
      tpu.wait_indirect_dma semaphore(%arg18 : memref<!tpu.dma_semaphore, #tpu.memory_space<semaphore_mem>>) src(%dma_wait3A_323 : memref<100000x128xf32, #tpu.memory_space<hbm>>) dst(%dma_wait3A_318 : memref<48x128xf32, #tpu.memory_space<vmem>>)
      %dma_wait3A_324 = arith.constant 104 : i32
      %dma_wait3A_325 = arith.constant 0 : i32
      %dma_wait3A_326 = tpu.memref_slice %arg13[%dma_wait3A_324, %dma_wait3A_325] : memref<200x128xf32, #tpu.memory_space<vmem>> -> memref<48x128xf32, #tpu.memory_space<vmem>>
      %dma_wait3A_327 = arith.constant 104 : i32
      %dma_wait3A_328 = tpu.memref_slice %arg9[%dma_wait3A_327] : memref<200xi32, #tpu.memory_space<vmem>> -> memref<48xi32, #tpu.memory_space<vmem>>
      %dma_wait3A_329 = arith.constant 0 : i32
      %dma_wait3A_330 = arith.constant 0 : i32
      %dma_wait3A_331 = tpu.memref_slice %arg3[%dma_wait3A_329, %dma_wait3A_330] : memref<100000x128xf32, #tpu.memory_space<hbm>> -> memref<100000x128xf32, #tpu.memory_space<hbm>>
      tpu.wait_indirect_dma semaphore(%arg18 : memref<!tpu.dma_semaphore, #tpu.memory_space<semaphore_mem>>) src(%dma_wait3A_331 : memref<100000x128xf32, #tpu.memory_space<hbm>>) dst(%dma_wait3A_326 : memref<48x128xf32, #tpu.memory_space<vmem>>)
      %dma_wait3A_332 = arith.constant 152 : i32
      %dma_wait3A_333 = arith.constant 0 : i32
      %dma_wait3A_334 = tpu.memref_slice %arg13[%dma_wait3A_332, %dma_wait3A_333] : memref<200x128xf32, #tpu.memory_space<vmem>> -> memref<48x128xf32, #tpu.memory_space<vmem>>
      %dma_wait3A_335 = arith.constant 152 : i32
      %dma_wait3A_336 = tpu.memref_slice %arg9[%dma_wait3A_335] : memref<200xi32, #tpu.memory_space<vmem>> -> memref<48xi32, #tpu.memory_space<vmem>>
      %dma_wait3A_337 = arith.constant 0 : i32
      %dma_wait3A_338 = arith.constant 0 : i32
      %dma_wait3A_339 = tpu.memref_slice %arg3[%dma_wait3A_337, %dma_wait3A_338] : memref<100000x128xf32, #tpu.memory_space<hbm>> -> memref<100000x128xf32, #tpu.memory_space<hbm>>
      tpu.wait_indirect_dma semaphore(%arg18 : memref<!tpu.dma_semaphore, #tpu.memory_space<semaphore_mem>>) src(%dma_wait3A_339 : memref<100000x128xf32, #tpu.memory_space<hbm>>) dst(%dma_wait3A_334 : memref<48x128xf32, #tpu.memory_space<vmem>>)
      %mul3A_340 = arith.constant 200 : i32
      %mul3A_341 = arith.muli %add3A_288, %mul3A_340 : i32
      %add3A_342 = arith.addi %mul3A_2, %mul3A_341 : i32
      %dma_start3A_343 = arith.constant 0 : i32
      %dma_start3A_344 = tpu.memref_slice %arg5[%add3A_342, %dma_start3A_343] : memref<204800x128xf32, #tpu.memory_space<hbm>> -> memref<200x128xf32, #tpu.memory_space<hbm>>
      %dma_start3A_345 = arith.constant 0 : i32
      %dma_start3A_346 = tpu.memref_slice %arg5[%add3A_342, %dma_start3A_345] : memref<204800x128xf32, #tpu.memory_space<hbm>> -> memref<200x128xf32, #tpu.memory_space<hbm>>
      tpu.enqueue_dma source(%arg13 : memref<200x128xf32, #tpu.memory_space<vmem>>) target(%dma_start3A_346 : memref<200x128xf32, #tpu.memory_space<hbm>>) target_semaphore(%arg22 : memref<!tpu.dma_semaphore, #tpu.memory_space<semaphore_mem>>)
    }
    %scan3A_89 = arith.constant 8 : i32
    %add3A_90 = arith.constant 6000 : i32
    %add3A_91 = arith.addi %mul3A_2, %add3A_90 : i32
    %dma_wait3A_92 = arith.constant 0 : i32
    %dma_wait3A_93 = tpu.memref_slice %arg5[%add3A_91, %dma_wait3A_92] : memref<204800x128xf32, #tpu.memory_space<hbm>> -> memref<200x128xf32, #tpu.memory_space<hbm>>
    %dma_wait3A_94 = arith.constant 0 : i32
    %dma_wait3A_95 = tpu.memref_slice %arg5[%add3A_91, %dma_wait3A_94] : memref<204800x128xf32, #tpu.memory_space<hbm>> -> memref<200x128xf32, #tpu.memory_space<hbm>>
    tpu.wait_dma2 semaphore(%arg21 : memref<!tpu.dma_semaphore, #tpu.memory_space<semaphore_mem>>) src(%arg12 : memref<200x128xf32, #tpu.memory_space<vmem>>) dst(%dma_wait3A_95 : memref<200x128xf32, #tpu.memory_space<hbm>>)
    %add3A_96 = arith.constant 6200 : i32
    %add3A_97 = arith.addi %mul3A_2, %add3A_96 : i32
    %dma_wait3A_98 = arith.constant 0 : i32
    %dma_wait3A_99 = tpu.memref_slice %arg5[%add3A_97, %dma_wait3A_98] : memref<204800x128xf32, #tpu.memory_space<hbm>> -> memref<200x128xf32, #tpu.memory_space<hbm>>
    %dma_wait3A_100 = arith.constant 0 : i32
    %dma_wait3A_101 = tpu.memref_slice %arg5[%add3A_97, %dma_wait3A_100] : memref<204800x128xf32, #tpu.memory_space<hbm>> -> memref<200x128xf32, #tpu.memory_space<hbm>>
    tpu.wait_dma2 semaphore(%arg22 : memref<!tpu.dma_semaphore, #tpu.memory_space<semaphore_mem>>) src(%arg13 : memref<200x128xf32, #tpu.memory_space<vmem>>) dst(%dma_wait3A_101 : memref<200x128xf32, #tpu.memory_space<hbm>>)
    return
  }
}

</mosaic_0001>

<sc_bundles>
// kernel: kernel.3.cloned.1.call-start
scs
__scs_entry_jumppad:
0x0: {  	(pc) =	sbr.rel $0x88, $3  }
0x1: {  	(tag) =	ssettag $0x0;
	lr =	simm.s32 $0x1  }
0x2: {  	[smem:$0x3F9F] =	sst lr;
	_ =	strace $0xD0000000  }
0x3: {  	_ = 	snop  }
0x4: {  	_ = 	snop  }
0x5: {  	_ = 	snop  }
0x6: {  	_ = 	snop  }
0x7: {  	_ = 	snop  }
__scs_overlays_trampoline_lowered:
0x8: {  	[smem:$0x3FAE] =	sst s0  }
0x9: {  	[smem:$0x3FAF] =	sst s1  }
0xa: {  	[smem:$0x3FB0] =	sst s2  }
0xb: {  	[smem:$0x3FB1] =	sst s3  }
0xc: {  	[smem:$0x3FB2] =	sst s4  }
0xd: {  	[smem:$0x3FB3] =	sst s5  }
0xe: {  	[smem:$0x3FB4] =	sst s6  }
0xf: {  	[smem:$0x3FB5] =	sst s7  }
0x10: {  	[smem:$0x3FB6] =	sst s8  }
0x11: {  	[smem:$0x3FB7] =	sst s9;
	s0 =	simm.s32 @!p0 $0x0  }
0x12: {  	s1 =	sld [smem:$0x3F9D];
	s0 =	simm.s32 @p0 $0x1  }
0x13: {  	[smem:$0x3FB8] =	sst s0;
	s0 =	simm.s32 @!p1 $0x0  }
0x14: {  	s2 =	sld [smem:$0x3F9C];
	s0 =	simm.s32 @p1 $0x1  }
0x15: {  	[smem:$0x3FB9] =	sst s0;
	s0 =	simm.s32 @!p2 $0x0  }
0x16: {  	s3 =	sld [smem:$0x3FDB];
	s0 =	simm.s32 @p2 $0x1  }
0x17: {  	s4 =	simm.s32 $0x1BF5;
	[smem:$0x3FBB] =	sst s0  }
0x18: {  	s0 =	sld [smem:$0x3F9E];
	_ =	swait.ge [sflag:s4], $0x0  }
0x19: {  	s7 =	sld [smem:$0x3F9F]  }
0x1a: {  	s8 =	sadd.s32 $0xFFFFE003, lr  }
0x1b: {  	s9 =	sadd.s32 $0xFFFFFEF7, lr;
	s5 =	simm.s32 $0xFFFFFFFF;
	p2 =	slt.u32 s8, $0xFFFFF086  }
0x1c: {  	p1 =	slt.u32 s9, $0xF7A;
	s5 =	simm.s32 @!p2 $0x0  }
0x1d: {  	s5 =	simm.s32 @p1 $0x1;
	p0 =	seq.s32 s7, s2  }
0x1e: {  	s7 =	smul.u32 @!p0 $0xF7A, s2;
	p2 =	seq.s32 @!p0 s5, $0x0  }
0x1f: {  	s9 =	smul.u32 $0xF7A, s1;
	s8 =	simm.s32 @!p0 $0x1BF5;
	p2 =	por !p2, p0  }
0x20: {  	[sflag:s8] =	ssyncset.s32 @!p0 $0xFFFFF086;
	s6 =	sadd.s32 @!p0 s3, s7;
	s7 =	simm.s32 @!p0 $0x108  }
0x21: {  	s3 =	sadd.s32 s3, s9;
	s6 =	sadd.s32 @!p0 $0x88, s6;
	s7 =	simm.s32 @p2 $0x1082  }
0x22: {  	[simem:s7], [sflag:s8] =	dma.local @!p0 [hbm:s6], $0xF7A  }
0x23: {  	s9 =	sor.u32 $0xD0000000, s2;
	s6 =	simm.s32 $0x108;
	_ =	swait.ge @!p0 [sflag:s8], $0x0  }
0x24: {  	s3 =	sadd.s32 $0x88, s3;
	s6 =	simm.s32 @!p1 $0x1082;
	[sflag:s4] =	ssyncset.s32 $0xFFFFF086  }
0x25: {  	[simem:s6], [sflag:s4] =	dma.local [hbm:s3], $0xF7A  }
0x26: {  	[smem:$0x3F9F] =	sst s1;
	(tag) =	ssettag s2;
	_ =	strace s9  }
0x27: {  	s1 =	sld [smem:$0x3FAF]  }
0x28: {  	s2 =	sld [smem:$0x3FB0]  }
0x29: {  	s4 =	sld [smem:$0x3FB2]  }
0x2a: {  	p0 =	seq.s32 s5, $0x0;
	s5 =	sld [smem:$0x3FB3]  }
0x2b: {  	s6 =	sld [smem:$0x3FB4]  }
0x2c: {  	s7 =	sld [smem:$0x3FB5]  }
0x2d: {  	s3 =	simm.s32 $0x108;
	s8 =	sld [smem:$0x3FB6]  }
0x2e: {  	s3 =	simm.s32 @!p0 $0x1082;
	s9 =	sld [smem:$0x3FB7]  }
0x2f: {  	lr =	sadd.s32 s0, s3;
	s0 =	sld [smem:$0x3FAE]  }
0x30: {  	s3 =	sld [smem:$0x3FB1]  }
0x31: {  	[smem:$0x3FBA] =	sst s10  }
0x32: {  	s10 =	sld [smem:$0x3FB8];
	_ =	sdelay $0x3  }
0x33: {  	p0 =	seq.s32 s10, $0x1;
	s10 =	sld [smem:$0x3FBA];
	_ =	sdelay $0x3  }
0x34: {  	[smem:$0x3FBA] =	sst s10  }
0x35: {  	s10 =	sld [smem:$0x3FB9];
	_ =	sdelay $0x3  }
0x36: {  	p1 =	seq.s32 s10, $0x1;
	s10 =	sld [smem:$0x3FBA];
	_ =	sdelay $0x3  }
0x37: {  	[smem:$0x3FBA] =	sst s10  }
0x38: {  	s10 =	sld [smem:$0x3FBB]  }
0x39: {  	_ = 	snop;
	(pc) =	sbr.ind lr, $3  }
0x3a: {  	_ = 	snop  }
0x3b: {  	_ = 	snop  }
0x3c: {  	p2 =	seq.s32 s10, $0x1;
	s10 =	sld [smem:$0x3FBA]  }
0x3d: {  	_ =	shalt  }
0x3e: {  	_ =	shalt  }
0x3f: {  	_ =	shalt  }
0x40: {  	_ =	shalt  }
0x41: {  	_ =	shalt  }
0x42: {  	_ =	shalt  }
0x43: {  	_ =	shalt  }
0x44: {  	_ =	shalt  }
0x45: {  	_ =	shalt  }
0x46: {  	_ =	shalt  }
0x47: {  	_ =	shalt  }
0x48: {  	_ =	shalt  }
0x49: {  	_ =	shalt  }
0x4a: {  	_ =	shalt  }
0x4b: {  	_ =	shalt  }
0x4c: {  	_ =	shalt  }
0x4d: {  	_ =	shalt  }
0x4e: {  	_ =	shalt  }
0x4f: {  	_ =	shalt  }
0x50: {  	_ =	shalt  }
0x51: {  	_ =	shalt  }
0x52: {  	_ =	shalt  }
0x53: {  	_ =	shalt  }
0x54: {  	_ =	shalt  }
0x55: {  	_ =	shalt  }
0x56: {  	_ =	shalt  }
0x57: {  	_ =	shalt  }
0x58: {  	_ =	shalt  }
0x59: {  	_ =	shalt  }
0x5a: {  	_ =	shalt  }
0x5b: {  	_ =	shalt  }
0x5c: {  	_ =	shalt  }
0x5d: {  	_ =	shalt  }
0x5e: {  	_ =	shalt  }
0x5f: {  	_ =	shalt  }
0x60: {  	_ =	shalt  }
0x61: {  	_ =	shalt  }
0x62: {  	_ =	shalt  }
0x63: {  	_ =	shalt  }
0x64: {  	_ =	shalt  }
0x65: {  	_ =	shalt  }
0x66: {  	_ =	shalt  }
0x67: {  	_ =	shalt  }
0x68: {  	_ =	shalt  }
0x69: {  	_ =	shalt  }
0x6a: {  	_ =	shalt  }
0x6b: {  	_ =	shalt  }
0x6c: {  	_ =	shalt  }
0x6d: {  	_ =	shalt  }
0x6e: {  	_ =	shalt  }
0x6f: {  	_ =	shalt  }
0x70: {  	_ =	shalt  }
0x71: {  	_ =	shalt  }
0x72: {  	_ =	shalt  }
0x73: {  	_ =	shalt  }
0x74: {  	_ =	shalt  }
0x75: {  	_ =	shalt  }
0x76: {  	_ =	shalt  }
0x77: {  	_ =	shalt  }
0x78: {  	_ =	shalt  }
0x79: {  	_ =	shalt  }
0x7a: {  	_ =	shalt  }
0x7b: {  	_ =	shalt  }
0x7c: {  	_ =	shalt  }
0x7d: {  	_ =	shalt  }
0x7e: {  	_ =	shalt  }
0x7f: {  	_ =	shalt  }
0x80: {  	_ =	shalt  }
0x81: {  	_ =	shalt  }
0x82: {  	_ =	shalt  }
0x83: {  	_ =	shalt  }
0x84: {  	_ =	shalt  }
0x85: {  	_ =	shalt  }
0x86: {  	_ =	shalt  }
0x87: {  	_ =	shalt  }
.Lfunc_end0:
.L_simem_size_0:
called_computation_lowered:
.L_overlay_start_0:
0x88: {  	s2 =	sld [smem:$0x3FD9]  }
0x89: {  	s3 =	sld [smem:$0x3FFE];
	_ =	sdelay $0x1  }
0x8a: {  	s1 =	srdreg.scid  }
0x8b: {  	s0 =	sand.u32 $0x1, s1  }
0x8c: {  	s17 =	sshll.u32 s0, $0xA;
	s2 =	sadd.s32 s3, s2  }
0x8d: {  	s2 =	sadd.s32 s2, s17  }
0x8e: {  	[smem:$0x3FC6] =	sst s2  }
0x8f: {  	_ = 	snop  }
0x90: {  	s2 =	sld [smem:$0x3FC8]  }
0x91: {  	s18 =	sld [smem:$0x3FD0];
	(tm) =	ssettm $0x1  }
0x92: {  	s4 =	sld [smem:$0x3FFB];
	_ =	sdelay $0x3  }
0x93: {  	_ =	strace s4  }
0x94: {  	s4 =	sld [smem:$0x3FFC];
	_ =	sdelay $0x3  }
0x95: {  	_ =	strace s4  }
0x96: {  	s4 =	sld [smem:$0x3FFD];
	_ =	sdelay $0x3  }
0x97: {  	_ =	strace s4  }
0x98: {  	_ =	strace $0x8FFFFFFF  }
0x99: {  	s19 =	sld [smem:$0x3FDB];
	_ =	sdelay $0x1  }
0x9a: {  	s5 =	simm.s32 $_scs_section_size  }
0x9b: {  	s6 =	simm.s32 $_size__tile_overlayer_lowered;
	s7 =	simm.s32 $_tile_overlayer_lowered  }
0x9c: {  	s22 =	simm.s32 $0x1BFF;
	s21 =	sshll.u32 s7, $0x1;
	s4 =	sadd.s32 s5, s19  }
0x9d: {  	s8 =	simm.s32 $0x0;
	s20 =	sshll.u32 s6, $0x1;
	s6 =	sadd.s32 s21, s4  }
0x9e: {  	[timem:s8], [sflag:s22] =	dma.local [hbm:s6], s20  }
0x9f: {  	_ =	swait.ge [sflag:s22], s20  }
0xa0: {  	s5 =	ssub.s32 $0x0, s20;
	[sflag:s22] =	ssyncset.done $0x0  }
0xa1: {  	[sflag:s22] =	ssyncadd.s32 s5;
	_ =	sdelay $0x1  }
0xa2: {  	s23 =	simm.s32 $0x1B8B  }
0xa3: {  	_ =	swait.ge [sflag:s23], $0x1  }
0xa4: {  	[sflag:s23] =	ssyncset.done $0x0  }
0xa5: {  	s25 =	simm.s32 $0x1B8E;
	s24 =	sld [smem:$0x3FFE];
	[sflag:s23] =	ssyncadd.s32 $0xFFFFFFFF  }
0xa6: {  	s26 =	simm.s32 $execute0_lowered;
	[smem:$0x3FD2] =	sst s25  }
0xa7: {  	s6 =	sshll.u32 s26, $0x1;
	_ =	strace $0x80000046;
	[dreg:$0x1] =	wrdreg $0xFFFFFFFF  }
0xa8: {  	s28 =	simm.s32 $_size_execute0_lowered;
	s4 =	sadd.s32 s4, s6;
	[dreg:$0x0] =	wrdreg $0x0  }
0xa9: {  	s6 =	sshll.u32 s28, $0x1;
	[dreg:$0x2] =	wrdreg s4  }
0xaa: {  	[dreg:$0x3] =	wrdreg s6  }
0xab: {  	[dreg:$0x4] =	wrdreg $0xC0  }
0xac: {  	_ =	task [dreg:s8], $0x5FFFF  }
0xad: {  	[dreg:$0x1] =	wrdreg $0xFFFFFFFF  }
0xae: {  	[dreg:$0x0] =	wrdreg $0x60  }
0xaf: {  	[dreg:$0x2] =	wrdreg s24  }
0xb0: {  	[dreg:$0x3] =	wrdreg s2  }
0xb1: {  	[dreg:$0x4] =	wrdreg s18  }
0xb2: {  	[dreg:$0x5] =	wrdreg $0x9  }
0xb3: {  	_ =	task.clear_ibuf [dreg:s8], $0x6FFFF;
	_ =	strace $0x90000046  }
0xb4: {  	s29 =	simm.s32 $0x9;
	_ =	strace $0x80000048  }
0xb5: {  	_ =	swait.ge [sflag:s29], $0x1  }
0xb6: {  	[sflag:s29] =	ssyncadd.s32 $0xFFFFFFFF  }
0xb7: {  	_ =	strace $0x90000048  }
0xb8: {  	_ =	sfence  }
0xb9: {  	s30 =	sld [smem:$0x0];
	_ =	sdelay $0x2  }
0xba: {  	s31 =	sshll.u32 s1, $0xD;
	s1 =	sshrl.u32 s1, $0x2  }
0xbb: {  	s3 =	sand.u32 $0x4000, s31;
	s1 =	sadd.s32 s1, s30  }
0xbc: {  	s0 =	sor.u32 s3, s0;
	s1 =	sshll.u32 s1, $0x11  }
0xbd: {  	s0 =	sor.u32 s1, s0  }
0xbe: {  	s0 =	sadd.s32 $0x8F2B, s0  }
0xbf: {  	[sflag:s0] =	ssyncadd.remote.s32 $0x1  }
0xc0: {  	_ =	sfence.sel $0xFFFF  }
0xc1: {  	[dreg:$0x0] =	wrdreg $0xFFFFFFFF;
	(pc) =	sbr.abs _section_cstart, $3  }
0xc2: {  	[dreg:$0x1] =	wrdreg $0xFFFFFFFF  }
0xc3: {  	_ =	task.clear_ibuf [dreg:s8], $0x2FFFF;
	_ =	strace $0x9FFFFFFF  }
0xc4: {  	(tm) =	ssettm $0x7FFFFFFF  }
0xc5: {  	_ =	shalt  }
tec
execute0_lowered:
.L_overlay_start_1:
0x0: {  	(tag) =	ssettag $0x1  }
0x1: {  	s0 =	rddreg [dreg:$0x0]  }
0x2: {  	s2 =	rddreg [dreg:$0x1]  }
0x3: {  	s1 =	rddreg [dreg:$0x2];
	s4 =	srdreg.scid  }
0x4: {  	s8 =	stileid.u32;
	s3 =	simm.s32 $0x0;
	s28 =	simm.s32 $0xCC00  }
0x5: {  	s12 =	simm.s32 $0x398;
	s13 =	simm.s32 $0x17C00;
	s14 =	simm.s32 $0x2  }
0x6: {  	s16 =	simm.s32 $0x3;
	s29 =	simm.s32 $0x8;
	s18 =	smul.u32 $0x32000, s8  }
0x7: {  	s5 =	sand.u32 $0x1, s4;
	s17 =	sshll.u32 s8, $0x1;
	s8 =	smul.u32 $0x3200, s8  }
0x8: {  	[smem:$0x7FF] =	sst s3;
	s4 =	sor.u32 s5, s17;
	s19 =	smul.u32 $0x1900, s5  }
0x9: {  	_ =	strace $0x80000047;
	s7 =	ssub.s32 $0x2, s5;
	s5 =	smul.u32 $0x19000, s5  }
0xa: {  	s6 =	smul.u32 $0x1900, s4;
	s4 =	sadd.s32 $0x400, s0;
	s0 =	sadd.s32 $0x6800, s0  }
0xb: {  	s17 =	simm.s32 $0x16400;
	s9 =	sshrl.u32 s7, $0x1;
	[dreg:$0x4] =	wrdreg s0  }
0xc: {  	s7 =	ssub.s32 s7, s9;
	s0 =	sadd.s32 s18, s1;
	s22 =	sadd.s32 s19, s8  }
0xd: {  	s8 =	simm.s32 $0x13000;
	s19 =	simm.s32 $0x4;
	s6 =	sshrl.u32 s6, $0x3  }
0xe: {  	s23 =	smax.u32 s7, $0x1;
	s24 =	sadd.s32 $0x320, s22;
	s25 =	sadd.s32 $0x3E8, s22  }
0xf: {  	s26 =	sadd.s32 $0x4B0, s22;
	s1 =	sadd.s32 $0x258, s22;
	s22 =	simm.s32 $0x30  }
0x10: {  	s7 =	simm.s32 $0xC;
	s10 =	sadd.s32 s4, s6;
	[dreg:$0x8] =	wrdreg s23  }
0x11: {  	[dreg:$0x9] =	wrdreg s24;
	s1 =	sshrl.u32 s1, $0x3;
	s20 =	sadd.s32 $0x19, s10  }
0x12: {  	[dreg:$0x5] =	wrdreg s10;
	s21 =	sadd.s32 $0x32, s10;
	s10 =	sadd.s32 s5, s0  }
0x13: {  	s0 =	sshrl.u32 s25, $0x3;
	s5 =	sshrl.u32 s26, $0x3;
	[dreg:$0x6] =	wrdreg s20  }
0x14: {  	s31 =	sadd.s32 s1, s4;
	s25 =	simm.s32 $0x300;
	[dreg:$0x7] =	wrdreg s21  }
0x15: {  	s26 =	simm.s32 $0xB;
	s0 =	sadd.s32 s0, s4;
	[dreg:$0xc] =	wrdreg s31  }
0x16: {  	s1 =	simm.s32 $0x0;
	s30 =	sadd.s32 s5, s4;
	[dreg:$0xa] =	wrdreg s0  }
0x17: {  	s20 =	simm.s32 $0x38;
	s5 =	simm.s32 $0x1;
	[dreg:$0xb] =	wrdreg s30  }
.LBB2_1:
0x18: {  	[dreg:$0xd] =	wrdreg s1  }
0x19: {  	s0 =	rddreg [dreg:$0x4];
	s15 =	simm.s32 $0x19400;
	s18 =	simm.s32 $0xD  }
0x1a: {  	[tilespmem:s15], [sflag:$0xD] =	stream.linear.gather [hbm4b:s0+s3], $0x6400, $0x38;
	[tilespmem:$0x1F800] =	vst v63  }
0x1b: {  	_ =	swait.ge [sflag:s18], $0x6400  }
0x1c: {  	[sflag:s18] =	ssyncset.done $0x0  }
0x1d: {  	s21 =	rddreg [dreg:$0x5];
	[sflag:s18] =	ssyncadd.s32 $0xFFFF9C00  }
0x1e: {  	[tilespmem:s3], [sflag:$0x9] =	stream.linear.gather [hbm4b:s21+s3], $0xC8, $0x38;
	[tilespmem:$0x1F800] =	vst v63  }
0x1f: {  	s1 =	simm.s32 $0x100;
	s23 =	rddreg [dreg:$0x6]  }
0x20: {  	[tilespmem:s1], [sflag:$0xA] =	stream.linear.gather [hbm4b:s23+s3], $0xC8, $0x38;
	[tilespmem:$0x1F800] =	vst v63  }
0x21: {  	s6 =	simm.s32 $0x200;
	s9 =	simm.s32 $0x9;
	s24 =	rddreg [dreg:$0x7]  }
0x22: {  	[tilespmem:s6], [sflag:$0xB] =	stream.linear.gather [hbm4b:s24+s3], $0xC8, $0x38;
	[tilespmem:$0x1F800] =	vst v63  }
0x23: {  	_ =	swait.ge [sflag:s9], $0xC8  }
0x24: {  	[sflag:s9] =	ssyncset.done $0x0  }
0x25: {  	s11 =	simm.s32 $0x400;
	[sflag:s9] =	ssyncadd.s32 $0xFFFFFF38  }
0x26: {  	[tilespmem:s11], [sflag:$0x1] =	stream.indirect.gather [hbm4b:s2+s20], $0x80, s3, s20, $0xb8;
	[tilespmem:$0x1F800] =	vst v63  }
0x27: {  	s15 =	simm.s32 $0x2000  }
0x28: {  	[tilespmem:s15], [sflag:$0x1] =	stream.indirect.gather [hbm4b:s2+s22], $0x80, s20, s22, $0xb8;
	[tilespmem:$0x1F800] =	vst v63  }
0x29: {  	s18 =	simm.s32 $0x68;
	s21 =	simm.s32 $0x3800  }
0x2a: {  	[tilespmem:s21], [sflag:$0x1] =	stream.indirect.gather [hbm4b:s2+s22], $0x80, s18, s22, $0xb8;
	[tilespmem:$0x1F800] =	vst v63  }
0x2b: {  	s23 =	simm.s32 $0x98;
	s24 =	simm.s32 $0x5000;
	s6 =	simm.s32 $0xA  }
0x2c: {  	[tilespmem:s24], [sflag:$0x1] =	stream.indirect.gather [hbm4b:s2+s22], $0x80, s23, s22, $0xb8;
	[tilespmem:$0x1F800] =	vst v63  }
0x2d: {  	_ =	swait.ge [sflag:s6], $0xC8  }
0x2e: {  	[sflag:s6] =	ssyncset.done $0x0  }
0x2f: {  	s9 =	simm.s32 $0x6800;
	[sflag:s6] =	ssyncadd.s32 $0xFFFFFF38  }
0x30: {  	[tilespmem:s9], [sflag:$0x2] =	stream.indirect.gather [hbm4b:s2+s20], $0x80, s1, s20, $0xb8;
	[tilespmem:$0x1F800] =	vst v63  }
0x31: {  	s11 =	simm.s32 $0x138;
	s15 =	simm.s32 $0x8400;
	s30 =	rddreg [dreg:$0xa]  }
0x32: {  	[tilespmem:s15], [sflag:$0x2] =	stream.indirect.gather [hbm4b:s2+s22], $0x80, s11, s22, $0xb8;
	[tilespmem:$0x1F800] =	vst v63  }
0x33: {  	s18 =	simm.s32 $0x168;
	s21 =	simm.s32 $0x9C00;
	s31 =	rddreg [dreg:$0x9]  }
0x34: {  	[tilespmem:s21], [sflag:$0x2] =	stream.indirect.gather [hbm4b:s2+s22], $0x80, s18, s22, $0xb8;
	[tilespmem:$0x1F800] =	vst v63  }
0x35: {  	s0 =	simm.s32 $0x0;
	s18 =	rddreg [dreg:$0xc]  }
0x36: {  	s23 =	simm.s32 $0x198;
	s24 =	simm.s32 $0xB400;
	s21 =	rddreg [dreg:$0xb]  }
0x37: {  	[tilespmem:s24], [sflag:$0x2] =	stream.indirect.gather [hbm4b:s2+s22], $0x80, s23, s22, $0xb8;
	[tilespmem:$0x1F800] =	vst v63  }
.LBB2_2:
0x38: {  	[tilespmem:s25], [sflag:$0xC] =	stream.linear.gather [hbm4b:s18+s3], $0xC8, $0x38;
	[tilespmem:$0x1F800] =	vst v63  }
0x39: {  	p0 =	seq.s32 s0, $0x0  }
0x3a: {  	s1 =	simm.s32 @!p0 $0x7  }
0x3b: {  	_ =	swait.ge @!p0 [sflag:s1], $0x6400  }
0x3c: {  	[sflag:s1] =	ssyncset.done @!p0 $0x0  }
0x3d: {  	[sflag:s1] =	ssyncadd.s32 @!p0 $0xFFFF9C00  }
0x3e: {  	_ =	swait.ge [sflag:s26], $0xC8  }
0x3f: {  	[sflag:s26] =	ssyncset.done $0x0  }
0x40: {  	s11 =	simm.s32 $0x200;
	[sflag:s26] =	ssyncadd.s32 $0xFFFFFF38  }
0x41: {  	[tilespmem:s28], [sflag:$0x3] =	stream.indirect.gather [hbm4b:s2+s20], $0x80, s11, s20, $0xb8;
	[tilespmem:$0x1F800] =	vst v63  }
0x42: {  	s15 =	simm.s32 $0x238;
	s6 =	simm.s32 $0xE800  }
0x43: {  	[tilespmem:s6], [sflag:$0x3] =	stream.indirect.gather [hbm4b:s2+s22], $0x80, s15, s22, $0xb8;
	[tilespmem:$0x1F800] =	vst v63  }
0x44: {  	s23 =	simm.s32 $0x268;
	s24 =	simm.s32 $0x10000  }
0x45: {  	[tilespmem:s24], [sflag:$0x3] =	stream.indirect.gather [hbm4b:s2+s22], $0x80, s23, s22, $0xb8;
	[tilespmem:$0x1F800] =	vst v63  }
0x46: {  	s9 =	simm.s32 $0x298;
	s11 =	simm.s32 $0x11800  }
0x47: {  	[tilespmem:s11], [sflag:$0x3] =	stream.indirect.gather [hbm4b:s2+s22], $0x80, s9, s22, $0xb8;
	[tilespmem:$0x1F800] =	vst v63  }
0x48: {  	_ =	swait.ge [sflag:s5], $0x1C00  }
0x49: {  	[sflag:s5] =	ssyncset.done $0x0  }
0x4a: {  	[sflag:s5] =	ssyncadd.s32 $0xFFFFE400  }
0x4b: {  	_ =	swait.ge [sflag:s5], $0x1800  }
0x4c: {  	[sflag:s5] =	ssyncset.done $0x0  }
0x4d: {  	[sflag:s5] =	ssyncadd.s32 $0xFFFFE800  }
0x4e: {  	_ =	swait.ge [sflag:s5], $0x1800  }
0x4f: {  	[sflag:s5] =	ssyncset.done $0x0  }
0x50: {  	[sflag:s5] =	ssyncadd.s32 $0xFFFFE800  }
0x51: {  	_ =	swait.ge [sflag:s5], $0x1800  }
0x52: {  	s1 =	sadd.s32 s0, s10;
	[sflag:s5] =	ssyncset.done $0x0  }
0x53: {  	p0 =	seq.s32 s0, $0x15E00;
	s15 =	simm.s32 $0x400;
	[sflag:s5] =	ssyncadd.s32 $0xFFFFE800  }
0x54: {  	[hbm4b:s1+s3] =	stream.linear.scatter [tilespmem:s15], [sflag:$0x5], $0x6400, $0x38;
	[tilespmem:$0x1F800] =	vst v63  }
0x55: {  	s15 =	sshrl.u32 @!p0 s31, $0x3  }
0x56: {  	p1 =	seq.s32 @!p0 s0, $0x0;
	s23 =	simm.s32 @!p0 $0x0;
	s15 =	sadd.s32 @!p0 s4, s15  }
0x57: {  	[tilespmem:s23], [sflag:$0x9] =	stream.linear.gather @!p0 [hbm4b:s15+s23], $0xC8, $0x38;
	[tilespmem:$0x1F800] =	vst v63  }
0x58: {  	p0 =	por p0, !p1  }
0x59: {  	_ =	swait.ge @p0 [sflag:s29], $0x6400  }
0x5a: {  	[sflag:s29] =	ssyncset.done @p0 $0x0  }
0x5b: {  	[sflag:s29] =	ssyncadd.s32 @p0 $0xFFFF9C00  }
0x5c: {  	_ =	swait.ge [sflag:s7], $0xC8  }
0x5d: {  	[sflag:s7] =	ssyncset.done $0x0  }
0x5e: {  	[sflag:s7] =	ssyncadd.s32 $0xFFFFFF38  }
0x5f: {  	[tilespmem:s8], [sflag:$0x4] =	stream.indirect.gather [hbm4b:s2+s20], $0x80, s25, s20, $0xb8;
	[tilespmem:$0x1F800] =	vst v63  }
0x60: {  	s9 =	simm.s32 $0x14C00;
	s23 =	simm.s32 $0x338  }
0x61: {  	[tilespmem:s9], [sflag:$0x4] =	stream.indirect.gather [hbm4b:s2+s22], $0x80, s23, s22, $0xb8;
	[tilespmem:$0x1F800] =	vst v63  }
0x62: {  	s24 =	simm.s32 $0x368  }
0x63: {  	[tilespmem:s17], [sflag:$0x4] =	stream.indirect.gather [hbm4b:s2+s22], $0x80, s24, s22, $0xb8;
	[tilespmem:$0x1F800] =	vst v63  }
0x64: {  	_ = 	snop  }
0x65: {  	[tilespmem:s13], [sflag:$0x4] =	stream.indirect.gather [hbm4b:s2+s22], $0x80, s12, s22, $0xb8;
	[tilespmem:$0x1F800] =	vst v63  }
0x66: {  	_ =	swait.ge [sflag:s14], $0x1C00  }
0x67: {  	[sflag:s14] =	ssyncset.done $0x0  }
0x68: {  	[sflag:s14] =	ssyncadd.s32 $0xFFFFE400  }
0x69: {  	_ =	swait.ge [sflag:s14], $0x1800  }
0x6a: {  	[sflag:s14] =	ssyncset.done $0x0  }
0x6b: {  	[sflag:s14] =	ssyncadd.s32 $0xFFFFE800  }
0x6c: {  	_ =	swait.ge [sflag:s14], $0x1800  }
0x6d: {  	[sflag:s14] =	ssyncset.done $0x0  }
0x6e: {  	[sflag:s14] =	ssyncadd.s32 $0xFFFFE800  }
0x6f: {  	_ =	swait.ge [sflag:s14], $0x1800  }
0x70: {  	s6 =	sadd.s32 $0xC80, s1;
	[sflag:s14] =	ssyncset.done $0x0  }
0x71: {  	p0 =	sne.s32 s0, $0x15E00;
	s9 =	simm.s32 $0x6800;
	[sflag:s14] =	ssyncadd.s32 $0xFFFFE800  }
0x72: {  	[hbm4b:s6+s3] =	stream.linear.scatter [tilespmem:s9], [sflag:$0x6], $0x6400, $0x38;
	[tilespmem:$0x1F800] =	vst v63  }
0x73: {  	s15 =	simm.s32 @p0 $0x0;
	s23 =	simm.s32 @p0 $0x100;
	s24 =	simm.s32 @p0 $0x5  }
0x74: {  	[tilespmem:s23], [sflag:$0xA] =	stream.linear.gather @p0 [hbm4b:s30+s15], $0xC8, $0x38;
	[tilespmem:$0x1F800] =	vst v63  }
0x75: {  	_ =	swait.ge @p0 [sflag:s24], $0x6400  }
0x76: {  	[sflag:s24] =	ssyncset.done @p0 $0x0  }
0x77: {  	[sflag:s24] =	ssyncadd.s32 @p0 $0xFFFF9C00;
	s24 =	simm.s32 @p0 $0x9  }
0x78: {  	_ =	swait.ge @p0 [sflag:s24], $0xC8  }
0x79: {  	[sflag:s24] =	ssyncset.done @p0 $0x0  }
0x7a: {  	s9 =	simm.s32 @p0 $0x400;
	[sflag:s24] =	ssyncadd.s32 @p0 $0xFFFFFF38;
	s24 =	simm.s32 @p0 $0x38  }
0x7b: {  	[tilespmem:s9], [sflag:$0x1] =	stream.indirect.gather @p0 [hbm4b:s2+s24], $0x80, s15, s24, $0xb8;
	[tilespmem:$0x1F800] =	vst v63  }
0x7c: {  	s11 =	simm.s32 @p0 $0x2000;
	s9 =	simm.s32 @p0 $0x30  }
0x7d: {  	[tilespmem:s11], [sflag:$0x1] =	stream.indirect.gather @p0 [hbm4b:s2+s9], $0x80, s24, s9, $0xb8;
	[tilespmem:$0x1F800] =	vst v63  }
0x7e: {  	s6 =	simm.s32 @p0 $0x3800;
	s11 =	simm.s32 @p0 $0x68  }
0x7f: {  	[tilespmem:s6], [sflag:$0x1] =	stream.indirect.gather @p0 [hbm4b:s2+s9], $0x80, s11, s9, $0xb8;
	[tilespmem:$0x1F800] =	vst v63  }
0x80: {  	s6 =	simm.s32 @p0 $0x98;
	s11 =	simm.s32 @p0 $0x5000  }
0x81: {  	[tilespmem:s11], [sflag:$0x1] =	stream.indirect.gather @p0 [hbm4b:s2+s9], $0x80, s6, s9, $0xb8;
	[tilespmem:$0x1F800] =	vst v63  }
0x82: {  	s6 =	simm.s32 @!p0 $0x5  }
0x83: {  	_ =	swait.ge @!p0 [sflag:s6], $0x6400  }
0x84: {  	[sflag:s6] =	ssyncset.done @!p0 $0x0  }
0x85: {  	[sflag:s6] =	ssyncadd.s32 @!p0 $0xFFFF9C00  }
0x86: {  	_ =	swait.ge [sflag:s16], $0x1C00  }
0x87: {  	[sflag:s16] =	ssyncset.done $0x0  }
0x88: {  	[sflag:s16] =	ssyncadd.s32 $0xFFFFE400  }
0x89: {  	_ =	swait.ge [sflag:s16], $0x1800  }
0x8a: {  	[sflag:s16] =	ssyncset.done $0x0  }
0x8b: {  	[sflag:s16] =	ssyncadd.s32 $0xFFFFE800  }
0x8c: {  	_ =	swait.ge [sflag:s16], $0x1800  }
0x8d: {  	[sflag:s16] =	ssyncset.done $0x0  }
0x8e: {  	[sflag:s16] =	ssyncadd.s32 $0xFFFFE800  }
0x8f: {  	_ =	swait.ge [sflag:s16], $0x1800  }
0x90: {  	[sflag:s16] =	ssyncset.done $0x0  }
0x91: {  	s11 =	sadd.s32 $0x1900, s1;
	[sflag:s16] =	ssyncadd.s32 $0xFFFFE800  }
0x92: {  	[hbm4b:s11+s3] =	stream.linear.scatter [tilespmem:s28], [sflag:$0x7], $0x6400, $0x38;
	[tilespmem:$0x1F800] =	vst v63  }
0x93: {  	s6 =	simm.s32 @p0 $0x200  }
0x94: {  	[tilespmem:s6], [sflag:$0xB] =	stream.linear.gather @p0 [hbm4b:s21+s15], $0xC8, $0x38;
	[tilespmem:$0x1F800] =	vst v63  }
0x95: {  	s6 =	simm.s32 @p0 $0x6  }
0x96: {  	_ =	swait.ge @p0 [sflag:s6], $0x6400  }
0x97: {  	[sflag:s6] =	ssyncset.done @p0 $0x0  }
0x98: {  	[sflag:s6] =	ssyncadd.s32 @p0 $0xFFFF9C00;
	s6 =	simm.s32 @p0 $0xA  }
0x99: {  	_ =	swait.ge @p0 [sflag:s6], $0xC8  }
0x9a: {  	[sflag:s6] =	ssyncset.done @p0 $0x0  }
0x9b: {  	[sflag:s6] =	ssyncadd.s32 @p0 $0xFFFFFF38;
	s6 =	simm.s32 @p0 $0x6800  }
0x9c: {  	[tilespmem:s6], [sflag:$0x2] =	stream.indirect.gather @p0 [hbm4b:s2+s24], $0x80, s23, s24, $0xb8;
	[tilespmem:$0x1F800] =	vst v63  }
0x9d: {  	s11 =	simm.s32 @p0 $0x8400;
	s6 =	simm.s32 @p0 $0x138  }
0x9e: {  	[tilespmem:s11], [sflag:$0x2] =	stream.indirect.gather @p0 [hbm4b:s2+s9], $0x80, s6, s9, $0xb8;
	[tilespmem:$0x1F800] =	vst v63  }
0x9f: {  	s6 =	simm.s32 @p0 $0x168;
	s11 =	simm.s32 @p0 $0x9C00  }
0xa0: {  	[tilespmem:s11], [sflag:$0x2] =	stream.indirect.gather @p0 [hbm4b:s2+s9], $0x80, s6, s9, $0xb8;
	[tilespmem:$0x1F800] =	vst v63  }
0xa1: {  	s6 =	simm.s32 @p0 $0x198;
	s11 =	simm.s32 @p0 $0xB400  }
0xa2: {  	[tilespmem:s11], [sflag:$0x2] =	stream.indirect.gather @p0 [hbm4b:s2+s9], $0x80, s6, s9, $0xb8;
	[tilespmem:$0x1F800] =	vst v63  }
0xa3: {  	s6 =	simm.s32 @!p0 $0x6  }
0xa4: {  	_ =	swait.ge @!p0 [sflag:s6], $0x6400  }
0xa5: {  	[sflag:s6] =	ssyncset.done @!p0 $0x0  }
0xa6: {  	[sflag:s6] =	ssyncadd.s32 @!p0 $0xFFFF9C00  }
0xa7: {  	_ =	swait.ge [sflag:s19], $0x1C00  }
0xa8: {  	[sflag:s19] =	ssyncset.done $0x0  }
0xa9: {  	[sflag:s19] =	ssyncadd.s32 $0xFFFFE400  }
0xaa: {  	_ =	swait.ge [sflag:s19], $0x1800  }
0xab: {  	[sflag:s19] =	ssyncset.done $0x0  }
0xac: {  	[sflag:s19] =	ssyncadd.s32 $0xFFFFE800  }
0xad: {  	s0 =	sadd.s32 $0x3200, s0;
	_ =	swait.ge [sflag:s19], $0x1800  }
0xae: {  	p0 =	sne.s32 s0, $0x19000;
	[sflag:s19] =	ssyncset.done $0x0  }
.Ltmp0:
0xaf: {  	[sflag:s19] =	ssyncadd.s32 $0xFFFFE800;
	(pc) =	sbr.rel @p0 .LBB2_2-.Ltmp0, $4  }
0xb0: {  	s18 =	sadd.s32 $0x64, s18;
	_ =	swait.ge [sflag:s19], $0x1800  }
0xb1: {  	s31 =	sadd.s32 $0x320, s31;
	s30 =	sadd.s32 $0x64, s30;
	[sflag:s19] =	ssyncset.done $0x0  }
0xb2: {  	s1 =	sadd.s32 $0x2580, s1;
	s21 =	sadd.s32 $0x64, s21;
	[sflag:s19] =	ssyncadd.s32 $0xFFFFE800  }
0xb3: {  	[hbm4b:s1+s3] =	stream.linear.scatter [tilespmem:s8], [sflag:$0x8], $0x6400, $0x38;
	[tilespmem:$0x1F800] =	vst v63  }
0xb4: {  	s0 =	simm.s32 $0x7  }
0xb5: {  	_ =	swait.ge [sflag:s0], $0x6400  }
0xb6: {  	[sflag:s0] =	ssyncset.done $0x0  }
0xb7: {  	[sflag:s0] =	ssyncadd.s32 $0xFFFF9C00  }
0xb8: {  	_ =	swait.ge [sflag:s29], $0x6400  }
0xb9: {  	s1 =	rddreg [dreg:$0xd]  }
0xba: {  	s31 =	rddreg [dreg:$0x8];
	s1 =	sadd.s32 $0x1, s1  }
0xbb: {  	p0 =	sne.s32 s1, s31  }
.Ltmp1:
0xbc: {  	_ = 	snop;
	(pc) =	sbr.rel @p0 .LBB2_1-.Ltmp1, $3  }
0xbd: {  	_ =	sdelay $0x1  }
0xbe: {  	[sflag:s29] =	ssyncset.done $0x0  }
0xbf: {  	[sflag:s29] =	ssyncadd.s32 $0xFFFF9C00  }
0xc0: {  	_ =	sfence.sel $0x180000  }
0xc1: {  	[bflag:$0x0] =	sbarrier.arrive $0xFFFF  }
0xc2: {  	_ =	strace $0x90000047  }
0xc3: {  	s0 =	stileid.u32;
	[bflag:$0x2] =	sbarrier.arrive $0xFFFF  }
0xc4: {  	p0 =	sne.s32 s0, $0x0;
	s0 =	rddreg [dreg:$0x3]  }
0xc5: {  	s0 =	sadd.s32 @!p0 $0x100000, s0  }
0xc6: {  	[sflag:s0] =	ssyncadd.tile.s32 @!p0 $0x1;
	_ =	shalt  }
.Lfunc_end2:
_tile_overlayer_lowered:
.L_overlay_start_2:
0xc7: {  	(tag) =	ssettag $0x2  }
0xc8: {  	s0 =	rddreg [dreg:$0x0];
	s2 =	stileid.u32  }
0xc9: {  	s1 =	rddreg [dreg:$0x1];
	p0 =	sne.s32 s2, $0x0  }
0xca: {  	s3 =	rddreg [dreg:$0x2];
	[bflag:$0x3] =	sbarrier.arrive $0xFFFF;
	s2 =	simm.s32 @!p0 $0x1C0D  }
0xcb: {  	[timem:s3], [sflag:s2] =	dma.local @!p0 [hbm:s0], s1  }
0xcc: {  	s0 =	simm.s32 @!p0 $0xD  }
0xcd: {  	_ =	swait.ge @!p0 [sflag:s0], s1  }
0xce: {  	s1 =	ssub.s32 @!p0 $0x0, s1;
	[sflag:s0] =	ssyncset.done @!p0 $0x0  }
0xcf: {  	[sflag:s0] =	ssyncadd.s32 @!p0 s1  }
0xd0: {  	[bflag:$0x3] =	sbarrier.arrive $0xFFFF  }
0xd1: {  	_ =	shalt  }

</sc_bundles>
